<compile_context>
chip_gen: v7x
topology: tpu7x:2x2x1
jax: 0.10.2.dev20260603
libtpu: 0.0.44.dev20260713+nightly
codegen_flags: <defaults>
</compile_context>

<pallas_src>
import functools

import jax
import jax.numpy as jnp
from jax import lax
from jax.experimental import pallas as pl
from jax.experimental.pallas import tpu as pltpu
from jax.experimental.pallas import tpu_sc as plsc

B = 16384
D = 32
V = 1000000
LB = 2048
NBLK = (V + LB - 1) // LB
QR = LB // 4
HR = QR // 2
VP = NBLK * HR
NC, NS = 2, 16
NW = NC * NS
BPW = B // NW


def _pack_body(a_ref, b_ref, c_ref, d_ref, ao_ref, bo_ref, co_ref, do_ref):
    rows = lax.broadcasted_iota(jnp.int32, (128, D), 0)
    cols = lax.broadcasted_iota(jnp.int32, (128, D), 1)
    eqs = [(rows == cols + D * q).astype(jnp.bfloat16) for q in range(4)]
    cdim = (((1,), (0,)), ((), ()))
    limit = V - pl.program_id(0) * LB
    lane = lax.broadcasted_iota(jnp.int32, (D, LB), 1)
    ok = lane < limit
    for src, dst in ((a_ref, ao_ref), (b_ref, bo_ref), (c_ref, co_ref),
                     (d_ref, do_ref)):
        x = jnp.where(ok, src[...], 0.0).astype(jnp.bfloat16)
        acc = lax.dot_general(eqs[0], x[:, 0:QR], cdim,
                              preferred_element_type=jnp.float32)
        for q in range(1, 4):
            acc = acc + lax.dot_general(
                eqs[q], x[:, q * QR:(q + 1) * QR], cdim,
                preferred_element_type=jnp.float32)
        accT = acc.T.astype(jnp.bfloat16)
        u0 = lax.bitcast_convert_type(accT[0:HR, :], jnp.uint16).astype(
            jnp.uint32)
        u1 = lax.bitcast_convert_type(accT[HR:QR, :], jnp.uint16).astype(
            jnp.uint32)
        dst[...] = lax.bitcast_convert_type(u0 | (u1 << 16), jnp.int32)


def _pack_tables(tTs):
    in_spec = pl.BlockSpec((D, LB), lambda i: (0, i))
    out_spec = pl.BlockSpec((HR, 128), lambda i: (i, 0))
    return pl.pallas_call(
        _pack_body,
        grid=(NBLK,),
        in_specs=[in_spec] * 4,
        out_specs=[out_spec] * 4,
        out_shape=[jax.ShapeDtypeStruct((VP, 128), jnp.int32)] * 4,
        compiler_params=pltpu.CompilerParams(
            fuse_transposed_lhs_in_matmul=True),
    )(*tTs)


@functools.cache
def _make_sc_gather():
    mesh = plsc.VectorSubcoreMesh(core_axis_name="c", subcore_axis_name="s")

    @functools.partial(
        pl.kernel,
        out_type=[jax.ShapeDtypeStruct((B, 128), jnp.int32)] * 4,
        mesh=mesh,
        scratch_types=[
            pltpu.VMEM((BPW,), jnp.int32),
            pltpu.VMEM((BPW,), jnp.int32),
            pltpu.VMEM((BPW // 2, 128), jnp.int32),
            pltpu.VMEM((BPW // 2, 128), jnp.int32),
            pltpu.SemaphoreType.DMA,
            pltpu.SemaphoreType.DMA,
            pltpu.SemaphoreType.DMA,
        ],
    )
    def sc_gather(uidx_hbm, iidx_hbm, gu_hbm, gi_hbm, mu_hbm, mi_hbm,
                  gu_out, gi_out, mu_out, mi_out,
                  ju_v, ji_v, rows_a, rows_b, sema, semb, semo):
        wid = lax.axis_index("s") * NC + lax.axis_index("c")
        base = wid * BPW
        pltpu.sync_copy(uidx_hbm.at[pl.ds(base, BPW)], ju_v)
        pltpu.sync_copy(iidx_hbm.at[pl.ds(base, BPW)], ji_v)

        def to_packed(k, _):
            s = pl.ds(k * 16, 16)
            ju = ju_v[s]
            ji = ji_v[s]
            ju_v[s] = ((ju >> 11) << 8) | (ju & (HR - 1))
            ji_v[s] = ((ji >> 11) << 8) | (ji & (HR - 1))
            return ()

        lax.fori_loop(0, BPW // 16, to_packed, (), unroll=4)

        CH = BPW // 2
        bufs = (rows_a, rows_b)
        sems = (sema, semb)
        rounds = []
        for tbl, jv, out in ((gu_hbm, ju_v, gu_out), (gi_hbm, ji_v, gi_out),
                             (mu_hbm, ju_v, mu_out), (mi_hbm, ji_v, mi_out)):
            for c in range(2):
                rounds.append((tbl, jv, out, c))
        n = len(rounds)
        gathers = [None] * n
        stores = [None] * n

        def finish(i):
            _, _, out, c = rounds[i]
            gathers[i].wait()
            stores[i] = pltpu.async_copy(
                bufs[i % 2], out.at[pl.ds(base + c * CH, CH)], semo)

        for i, (tbl, jv, out, c) in enumerate(rounds):
            if i >= 2:
                stores[i - 2].wait()
            gathers[i] = pltpu.async_copy(
                tbl.at[jv.at[pl.ds(c * CH, CH)]], bufs[i % 2], sems[i % 2])
            if i >= 1:
                finish(i - 1)
        finish(n - 1)
        stores[n - 2].wait()
        stores[n - 1].wait()

    return sc_gather


BLK = 2048


def _mlp_body(uidx_ref, iidx_ref, gu_ref, gi_ref, mu_ref, mi_ref, w1_ref,
              b1_ref, w2_ref, b2_ref, w3_ref, b3_ref, wpg_ref, wph_ref,
              bp_ref, out_ref):
    uidx = uidx_ref[...]
    iidx = iidx_ref[...]
    uq = (uidx >> 9) & 3
    iq = (iidx >> 9) & 3
    us = jnp.broadcast_to(((uidx >> 8) & 1) * 16, (BLK, D))
    ish = jnp.broadcast_to(((iidx >> 8) & 1) * 16, (BLK, D))

    def pick(raw, q, shift):
        acc = jnp.zeros((BLK, D), jnp.int32)
        for c in range(4):
            sel = jnp.broadcast_to(q == c, (BLK, D))
            acc = acc + jnp.where(sel, raw[:, c * D:(c + 1) * D], 0)
        bits = (acc >> shift).astype(jnp.uint16)
        return lax.bitcast_convert_type(bits, jnp.bfloat16).astype(
            jnp.float32)

    gmf = pick(gu_ref[...], uq, us) * pick(gi_ref[...], iq, ish)
    x = jnp.concatenate([pick(mu_ref[...], uq, us),
                         pick(mi_ref[...], iq, ish)], axis=1)
    h = jnp.maximum(jnp.dot(x, w1_ref[...],
                            preferred_element_type=jnp.float32) + b1_ref[...],
                    0.0)
    h = jnp.maximum(jnp.dot(h, w2_ref[...],
                            preferred_element_type=jnp.float32) + b2_ref[...],
                    0.0)
    h = jnp.maximum(jnp.dot(h, w3_ref[...],
                            preferred_element_type=jnp.float32) + b3_ref[...],
                    0.0)
    logit = (jnp.dot(gmf, wpg_ref[...], preferred_element_type=jnp.float32)
             + jnp.dot(h, wph_ref[...], preferred_element_type=jnp.float32)
             + bp_ref[0, 0])
    out_ref[...] = jax.nn.sigmoid(logit)


def _run_mlp(uidx, iidx, gu, gi, mu, mi, W1, b1, W2, b2, W3, b3, Wpg, Wph,
             bp):
    grid = (B // BLK,)
    raw_spec = pl.BlockSpec((BLK, 128), lambda i: (i, 0))
    idx_spec = pl.BlockSpec((BLK, 1), lambda i: (i, 0))

    def whole(shape):
        return pl.BlockSpec(shape, lambda i: (0,) * len(shape))

    out = pl.pallas_call(
        _mlp_body,
        grid=grid,
        in_specs=[
            idx_spec, idx_spec,
            raw_spec, raw_spec, raw_spec, raw_spec,
            whole((64, 32)), whole((1, 32)),
            whole((32, 16)), whole((1, 16)),
            whole((16, 8)), whole((1, 8)),
            whole((32, 1)), whole((8, 1)), whole((1, 1)),
        ],
        out_specs=pl.BlockSpec((BLK, 1), lambda i: (i, 0)),
        out_shape=jax.ShapeDtypeStruct((B, 1), jnp.float32),
    )(uidx.reshape(B, 1), iidx.reshape(B, 1), gu, gi, mu, mi,
      W1, b1.reshape(1, 32), W2,
      b2.reshape(1, 16), W3, b3.reshape(1, 8), Wpg, Wph, bp.reshape(1, 1))
    return out.reshape(B)


def kernel(user_idx, item_idx, gmf_user, gmf_item, mlp_user, mlp_item,
           W1, b1, W2, b2, W3, b3, Wp, bp):
    uidx = user_idx.astype(jnp.int32)
    iidx = item_idx.astype(jnp.int32)
    packed = _pack_tables((gmf_user.T, gmf_item.T, mlp_user.T, mlp_item.T))
    gu, gi, mu, mi = _make_sc_gather()(uidx, iidx, *packed)
    Wpg = Wp[:D]
    Wph = Wp[D:]
    return _run_mlp(uidx, iidx, gu, gi, mu, mi, W1, b1, W2, b2, W3, b3,
                    Wpg, Wph, bp)

# --- scband reference (transcript-rebuilt; emitter-appended) ---
"""Pipeline reference for scband-neu-mf-37589553774638 (READ-ONLY COPY).

The authoritative reference and input builder live on the scoring server;
editing this copy changes nothing except your own understanding.
"""

import jax, jax.numpy as jnp
import numpy as np

N_USERS = 1000000
N_ITEMS = 1000000
GMF_DIM = 32
MLP_LAYERS = (64, 32, 16, 8)
BATCH = 16384


def setup_inputs(seed: int = 0) -> dict:
    key = jax.random.key(seed)
    ks = jax.random.split(key, 16)
    user_idx = jax.random.randint(ks[0], (BATCH,), 0, N_USERS, dtype=jnp.int64 if jax.config.jax_enable_x64 else jnp.int32)
    item_idx = jax.random.randint(ks[1], (BATCH,), 0, N_ITEMS, dtype=jnp.int64 if jax.config.jax_enable_x64 else jnp.int32)
    # embedding tables (std=0.1 per nn.init.normal_)
    gmf_user = jax.random.normal(ks[2], (N_USERS, GMF_DIM), dtype=jnp.float32) * 0.1
    gmf_item = jax.random.normal(ks[3], (N_ITEMS, GMF_DIM), dtype=jnp.float32) * 0.1
    mlp_dim = MLP_LAYERS[0] // 2
    mlp_user = jax.random.normal(ks[4], (N_USERS, mlp_dim), dtype=jnp.float32) * 0.1
    mlp_item = jax.random.normal(ks[5], (N_ITEMS, mlp_dim), dtype=jnp.float32) * 0.1
    # MLP linear layers (kaiming-uniform-ish init approximated with uniform)
    def lin(k, fan_in, fan_out):
        bound = 1.0 / np.sqrt(fan_in)
        kw, kb = jax.random.split(k)
        W = jax.random.uniform(kw, (fan_in, fan_out), minval=-bound, maxval=bound, dtype=jnp.float32)
        b = jax.random.uniform(kb, (fan_out,), minval=-bound, maxval=bound, dtype=jnp.float32)
        return W, b
    W1, b1 = lin(ks[6], MLP_LAYERS[0], MLP_LAYERS[1])
    W2, b2 = lin(ks[7], MLP_LAYERS[1], MLP_LAYERS[2])
    W3, b3 = lin(ks[8], MLP_LAYERS[2], MLP_LAYERS[3])
    Wp, bp = lin(ks[9], GMF_DIM + MLP_LAYERS[-1], 1)
    return {
        "user_idx": user_idx, "item_idx": item_idx,
        "gmf_user": gmf_user, "gmf_item": gmf_item,
        "mlp_user": mlp_user, "mlp_item": mlp_item,
        "W1": W1, "b1": b1, "W2": W2, "b2": b2, "W3": W3, "b3": b3,
        "Wp": Wp, "bp": bp,
    }


def reference(user_idx, item_idx, gmf_user, gmf_item, mlp_user, mlp_item,
              W1, b1, W2, b2, W3, b3, Wp, bp):
    # GMF branch: elementwise product of embeddings
    gu = jnp.take(gmf_user, user_idx, axis=0)
    gi = jnp.take(gmf_item, item_idx, axis=0)
    gmf_vec = gu * gi
    # MLP branch (dropout is identity in eval mode)
    mu = jnp.take(mlp_user, user_idx, axis=0)
    mi = jnp.take(mlp_item, item_idx, axis=0)
    x = jnp.concatenate([mu, mi], axis=-1)
    h = jax.nn.relu(x @ W1 + b1)
    h = jax.nn.relu(h @ W2 + b2)
    h = jax.nn.relu(h @ W3 + b3)
    z = jnp.concatenate([gmf_vec, h], axis=-1)
    out = jax.nn.sigmoid(z @ Wp + bp)
    return jnp.squeeze(out, axis=-1)

if __name__ == "__main__":
    import jax
    _d = setup_inputs()
    print(jax.jit(kernel)(*tuple(_d.values())))

</pallas_src>

<mosaic_0001>
#map = affine_map<(d0, d1) -> (0)>
#map1 = affine_map<(d0, d1) -> (0, 0)>
module attributes {stable_mosaic.version = 14 : i64} {
  func.func @sc_gather(%arg0: i32, %arg1: i32, %arg2: memref<16384xi32, #tpu.memory_space<hbm>>, %arg3: memref<16384xi32, #tpu.memory_space<hbm>>, %arg4: memref<125184x128xi32, #tpu.memory_space<hbm>>, %arg5: memref<125184x128xi32, #tpu.memory_space<hbm>>, %arg6: memref<125184x128xi32, #tpu.memory_space<hbm>>, %arg7: memref<125184x128xi32, #tpu.memory_space<hbm>>, %arg8: memref<16384x128xi32, #tpu.memory_space<hbm>>, %arg9: memref<16384x128xi32, #tpu.memory_space<hbm>>, %arg10: memref<16384x128xi32, #tpu.memory_space<hbm>>, %arg11: memref<16384x128xi32, #tpu.memory_space<hbm>>, %arg12: memref<512xi32, #tpu.memory_space<vmem>>, %arg13: memref<512xi32, #tpu.memory_space<vmem>>, %arg14: memref<256x128xi32, #tpu.memory_space<vmem>>, %arg15: memref<256x128xi32, #tpu.memory_space<vmem>>, %arg16: memref<!tpu.dma_semaphore, #tpu.memory_space<semaphore_mem>>, %arg17: memref<!tpu.dma_semaphore, #tpu.memory_space<semaphore_mem>>, %arg18: memref<!tpu.dma_semaphore, #tpu.memory_space<semaphore_mem>>) attributes {dimension_semantics = [#tpu.dimension_semantics<core_parallel>, #tpu.dimension_semantics<subcore_parallel>], iteration_bounds = array<i64: 2, 16>, scalar_prefetch = 0 : i64, scratch_operands = 7 : i64, tpu.core_type = #tpu.core_type<sc_vector_subcore>, window_params = [{transform_indices = #map}, {transform_indices = #map}, {transform_indices = #map1}, {transform_indices = #map1}, {transform_indices = #map1}, {transform_indices = #map1}, {transform_indices = #map1}, {transform_indices = #map1}, {transform_indices = #map1}, {transform_indices = #map1}]} {
    %mul3A = arith.constant 2 : i32
    %mul3A_0 = arith.muli %arg1, %mul3A : i32
    %add3A = arith.addi %mul3A_0, %arg0 : i32
    %mul3A_1 = arith.constant 512 : i32
    %mul3A_2 = arith.muli %add3A, %mul3A_1 : i32
    "tpu.region"() ({
      %run_scoped3A = tpu.sem_alloc : memref<!tpu.dma_semaphore, #tpu.memory_space<semaphore_mem>>
      %dma_start3A_165 = tpu.memref_slice %arg2[%mul3A_2] : memref<16384xi32, #tpu.memory_space<hbm>> -> memref<512xi32, #tpu.memory_space<hbm>>
      %dma_start3A_166 = tpu.memref_slice %arg2[%mul3A_2] : memref<16384xi32, #tpu.memory_space<hbm>> -> memref<512xi32, #tpu.memory_space<hbm>>
      tpu.enqueue_dma source(%dma_start3A_166 : memref<512xi32, #tpu.memory_space<hbm>>) target(%arg12 : memref<512xi32, #tpu.memory_space<vmem>>) target_semaphore(%run_scoped3A : memref<!tpu.dma_semaphore, #tpu.memory_space<semaphore_mem>>)
      %dma_wait3A_167 = tpu.memref_slice %arg2[%mul3A_2] : memref<16384xi32, #tpu.memory_space<hbm>> -> memref<512xi32, #tpu.memory_space<hbm>>
      %dma_wait3A_168 = tpu.memref_slice %arg2[%mul3A_2] : memref<16384xi32, #tpu.memory_space<hbm>> -> memref<512xi32, #tpu.memory_space<hbm>>
      tpu.wait_dma2 semaphore(%run_scoped3A : memref<!tpu.dma_semaphore, #tpu.memory_space<semaphore_mem>>) src(%dma_wait3A_168 : memref<512xi32, #tpu.memory_space<hbm>>) dst(%arg12 : memref<512xi32, #tpu.memory_space<vmem>>)
      tpu.yield
    }) : () -> ()
    "tpu.region"() ({
      %run_scoped3A = tpu.sem_alloc : memref<!tpu.dma_semaphore, #tpu.memory_space<semaphore_mem>>
      %dma_start3A_165 = tpu.memref_slice %arg3[%mul3A_2] : memref<16384xi32, #tpu.memory_space<hbm>> -> memref<512xi32, #tpu.memory_space<hbm>>
      %dma_start3A_166 = tpu.memref_slice %arg3[%mul3A_2] : memref<16384xi32, #tpu.memory_space<hbm>> -> memref<512xi32, #tpu.memory_space<hbm>>
      tpu.enqueue_dma source(%dma_start3A_166 : memref<512xi32, #tpu.memory_space<hbm>>) target(%arg13 : memref<512xi32, #tpu.memory_space<vmem>>) target_semaphore(%run_scoped3A : memref<!tpu.dma_semaphore, #tpu.memory_space<semaphore_mem>>)
      %dma_wait3A_167 = tpu.memref_slice %arg3[%mul3A_2] : memref<16384xi32, #tpu.memory_space<hbm>> -> memref<512xi32, #tpu.memory_space<hbm>>
      %dma_wait3A_168 = tpu.memref_slice %arg3[%mul3A_2] : memref<16384xi32, #tpu.memory_space<hbm>> -> memref<512xi32, #tpu.memory_space<hbm>>
      tpu.wait_dma2 semaphore(%run_scoped3A : memref<!tpu.dma_semaphore, #tpu.memory_space<semaphore_mem>>) src(%dma_wait3A_168 : memref<512xi32, #tpu.memory_space<hbm>>) dst(%arg13 : memref<512xi32, #tpu.memory_space<vmem>>)
      tpu.yield
    }) : () -> ()
    %scan3A = arith.constant 0 : i32
    %scan3A_3 = arith.constant 32 : i32
    %scan3A_4 = arith.addi %scan3A, %scan3A_3 : i32
    %scan3A_5 = arith.constant 4 : i32
    scf.for %scan3A_165 = %scan3A to %scan3A_4 step %scan3A_5  : i32 {
      %mul3A_166 = arith.constant 16 : i32
      %mul3A_167 = arith.muli %scan3A_165, %mul3A_166 : i32
      %get3A = arith.index_cast %mul3A_167 : i32 to index
      %get3A_168 = tpu.vector_load %arg12[%get3A] {strides = array<i32>} : memref<512xi32, #tpu.memory_space<vmem>>, vector<16xi32>,
      %get3A_169 = vector.shape_cast %get3A_168 : vector<16xi32> to vector<16xi32>
      %get3A_170 = arith.index_cast %mul3A_167 : i32 to index
      %get3A_171 = tpu.vector_load %arg13[%get3A_170] {strides = array<i32>} : memref<512xi32, #tpu.memory_space<vmem>>, vector<16xi32>,
      %get3A_172 = vector.shape_cast %get3A_171 : vector<16xi32> to vector<16xi32>
      %shift_right_arithmetic3A = arith.constant 11 : i32
      %shift_right_arithmetic3A_173 = vector.broadcast %shift_right_arithmetic3A : i32 to vector<16xi32>
      %shift_right_arithmetic3A_174 = arith.shrsi %get3A_169, %shift_right_arithmetic3A_173 : vector<16xi32>
      %shift_left3A = arith.constant 8 : i32
      %shift_left3A_175 = vector.broadcast %shift_left3A : i32 to vector<16xi32>
      %shift_left3A_176 = arith.shli %shift_right_arithmetic3A_174, %shift_left3A_175 : vector<16xi32>
      %and3A = arith.constant 255 : i32
      %and3A_177 = vector.broadcast %and3A : i32 to vector<16xi32>
      %and3A_178 = arith.andi %get3A_169, %and3A_177 : vector<16xi32>
      %or3A = arith.ori %shift_left3A_176, %and3A_178 : vector<16xi32>
      %swap3A = arith.index_cast %mul3A_167 : i32 to index
      %swap3A_179 = tpu.vector_load %arg12[%swap3A] {strides = array<i32>} : memref<512xi32, #tpu.memory_space<vmem>>, vector<16xi32>,
      %swap3A_180 = vector.shape_cast %swap3A_179 : vector<16xi32> to vector<16xi32>
      %swap3A_181 = vector.shape_cast %or3A : vector<16xi32> to vector<16xi32>
      tpu.vector_store %arg12[%swap3A], %swap3A_181 {strides = array<i32>} : memref<512xi32, #tpu.memory_space<vmem>>, vector<16xi32>,
      %shift_right_arithmetic3A_182 = arith.constant 11 : i32
      %shift_right_arithmetic3A_183 = vector.broadcast %shift_right_arithmetic3A_182 : i32 to vector<16xi32>
      %shift_right_arithmetic3A_184 = arith.shrsi %get3A_172, %shift_right_arithmetic3A_183 : vector<16xi32>
      %shift_left3A_185 = arith.constant 8 : i32
      %shift_left3A_186 = vector.broadcast %shift_left3A_185 : i32 to vector<16xi32>
      %shift_left3A_187 = arith.shli %shift_right_arithmetic3A_184, %shift_left3A_186 : vector<16xi32>
      %and3A_188 = arith.constant 255 : i32
      %and3A_189 = vector.broadcast %and3A_188 : i32 to vector<16xi32>
      %and3A_190 = arith.andi %get3A_172, %and3A_189 : vector<16xi32>
      %or3A_191 = arith.ori %shift_left3A_187, %and3A_190 : vector<16xi32>
      %swap3A_192 = arith.index_cast %mul3A_167 : i32 to index
      %swap3A_193 = tpu.vector_load %arg13[%swap3A_192] {strides = array<i32>} : memref<512xi32, #tpu.memory_space<vmem>>, vector<16xi32>,
      %swap3A_194 = vector.shape_cast %swap3A_193 : vector<16xi32> to vector<16xi32>
      %swap3A_195 = vector.shape_cast %or3A_191 : vector<16xi32> to vector<16xi32>
      tpu.vector_store %arg13[%swap3A_192], %swap3A_195 {strides = array<i32>} : memref<512xi32, #tpu.memory_space<vmem>>, vector<16xi32>,
      %scan3A_196 = arith.constant 1 : i32
      %scan3A_197 = arith.addi %scan3A_165, %scan3A_196 : i32
      %mul3A_198 = arith.constant 16 : i32
      %mul3A_199 = arith.muli %scan3A_197, %mul3A_198 : i32
      %get3A_200 = arith.index_cast %mul3A_199 : i32 to index
      %get3A_201 = tpu.vector_load %arg12[%get3A_200] {strides = array<i32>} : memref<512xi32, #tpu.memory_space<vmem>>, vector<16xi32>,
      %get3A_202 = vector.shape_cast %get3A_201 : vector<16xi32> to vector<16xi32>
      %get3A_203 = arith.index_cast %mul3A_199 : i32 to index
      %get3A_204 = tpu.vector_load %arg13[%get3A_203] {strides = array<i32>} : memref<512xi32, #tpu.memory_space<vmem>>, vector<16xi32>,
      %get3A_205 = vector.shape_cast %get3A_204 : vector<16xi32> to vector<16xi32>
      %shift_right_arithmetic3A_206 = arith.constant 11 : i32
      %shift_right_arithmetic3A_207 = vector.broadcast %shift_right_arithmetic3A_206 : i32 to vector<16xi32>
      %shift_right_arithmetic3A_208 = arith.shrsi %get3A_202, %shift_right_arithmetic3A_207 : vector<16xi32>
      %shift_left3A_209 = arith.constant 8 : i32
      %shift_left3A_210 = vector.broadcast %shift_left3A_209 : i32 to vector<16xi32>
      %shift_left3A_211 = arith.shli %shift_right_arithmetic3A_208, %shift_left3A_210 : vector<16xi32>
      %and3A_212 = arith.constant 255 : i32
      %and3A_213 = vector.broadcast %and3A_212 : i32 to vector<16xi32>
      %and3A_214 = arith.andi %get3A_202, %and3A_213 : vector<16xi32>
      %or3A_215 = arith.ori %shift_left3A_211, %and3A_214 : vector<16xi32>
      %swap3A_216 = arith.index_cast %mul3A_199 : i32 to index
      %swap3A_217 = tpu.vector_load %arg12[%swap3A_216] {strides = array<i32>} : memref<512xi32, #tpu.memory_space<vmem>>, vector<16xi32>,
      %swap3A_218 = vector.shape_cast %swap3A_217 : vector<16xi32> to vector<16xi32>
      %swap3A_219 = vector.shape_cast %or3A_215 : vector<16xi32> to vector<16xi32>
      tpu.vector_store %arg12[%swap3A_216], %swap3A_219 {strides = array<i32>} : memref<512xi32, #tpu.memory_space<vmem>>, vector<16xi32>,
      %shift_right_arithmetic3A_220 = arith.constant 11 : i32
      %shift_right_arithmetic3A_221 = vector.broadcast %shift_right_arithmetic3A_220 : i32 to vector<16xi32>
      %shift_right_arithmetic3A_222 = arith.shrsi %get3A_205, %shift_right_arithmetic3A_221 : vector<16xi32>
      %shift_left3A_223 = arith.constant 8 : i32
      %shift_left3A_224 = vector.broadcast %shift_left3A_223 : i32 to vector<16xi32>
      %shift_left3A_225 = arith.shli %shift_right_arithmetic3A_222, %shift_left3A_224 : vector<16xi32>
      %and3A_226 = arith.constant 255 : i32
      %and3A_227 = vector.broadcast %and3A_226 : i32 to vector<16xi32>
      %and3A_228 = arith.andi %get3A_205, %and3A_227 : vector<16xi32>
      %or3A_229 = arith.ori %shift_left3A_225, %and3A_228 : vector<16xi32>
      %swap3A_230 = arith.index_cast %mul3A_199 : i32 to index
      %swap3A_231 = tpu.vector_load %arg13[%swap3A_230] {strides = array<i32>} : memref<512xi32, #tpu.memory_space<vmem>>, vector<16xi32>,
      %swap3A_232 = vector.shape_cast %swap3A_231 : vector<16xi32> to vector<16xi32>
      %swap3A_233 = vector.shape_cast %or3A_229 : vector<16xi32> to vector<16xi32>
      tpu.vector_store %arg13[%swap3A_230], %swap3A_233 {strides = array<i32>} : memref<512xi32, #tpu.memory_space<vmem>>, vector<16xi32>,
      %scan3A_234 = arith.constant 2 : i32
      %scan3A_235 = arith.addi %scan3A_165, %scan3A_234 : i32
      %mul3A_236 = arith.constant 16 : i32
      %mul3A_237 = arith.muli %scan3A_235, %mul3A_236 : i32
      %get3A_238 = arith.index_cast %mul3A_237 : i32 to index
      %get3A_239 = tpu.vector_load %arg12[%get3A_238] {strides = array<i32>} : memref<512xi32, #tpu.memory_space<vmem>>, vector<16xi32>,
      %get3A_240 = vector.shape_cast %get3A_239 : vector<16xi32> to vector<16xi32>
      %get3A_241 = arith.index_cast %mul3A_237 : i32 to index
      %get3A_242 = tpu.vector_load %arg13[%get3A_241] {strides = array<i32>} : memref<512xi32, #tpu.memory_space<vmem>>, vector<16xi32>,
      %get3A_243 = vector.shape_cast %get3A_242 : vector<16xi32> to vector<16xi32>
      %shift_right_arithmetic3A_244 = arith.constant 11 : i32
      %shift_right_arithmetic3A_245 = vector.broadcast %shift_right_arithmetic3A_244 : i32 to vector<16xi32>
      %shift_right_arithmetic3A_246 = arith.shrsi %get3A_240, %shift_right_arithmetic3A_245 : vector<16xi32>
      %shift_left3A_247 = arith.constant 8 : i32
      %shift_left3A_248 = vector.broadcast %shift_left3A_247 : i32 to vector<16xi32>
      %shift_left3A_249 = arith.shli %shift_right_arithmetic3A_246, %shift_left3A_248 : vector<16xi32>
      %and3A_250 = arith.constant 255 : i32
      %and3A_251 = vector.broadcast %and3A_250 : i32 to vector<16xi32>
      %and3A_252 = arith.andi %get3A_240, %and3A_251 : vector<16xi32>
      %or3A_253 = arith.ori %shift_left3A_249, %and3A_252 : vector<16xi32>
      %swap3A_254 = arith.index_cast %mul3A_237 : i32 to index
      %swap3A_255 = tpu.vector_load %arg12[%swap3A_254] {strides = array<i32>} : memref<512xi32, #tpu.memory_space<vmem>>, vector<16xi32>,
      %swap3A_256 = vector.shape_cast %swap3A_255 : vector<16xi32> to vector<16xi32>
      %swap3A_257 = vector.shape_cast %or3A_253 : vector<16xi32> to vector<16xi32>
      tpu.vector_store %arg12[%swap3A_254], %swap3A_257 {strides = array<i32>} : memref<512xi32, #tpu.memory_space<vmem>>, vector<16xi32>,
      %shift_right_arithmetic3A_258 = arith.constant 11 : i32
      %shift_right_arithmetic3A_259 = vector.broadcast %shift_right_arithmetic3A_258 : i32 to vector<16xi32>
      %shift_right_arithmetic3A_260 = arith.shrsi %get3A_243, %shift_right_arithmetic3A_259 : vector<16xi32>
      %shift_left3A_261 = arith.constant 8 : i32
      %shift_left3A_262 = vector.broadcast %shift_left3A_261 : i32 to vector<16xi32>
      %shift_left3A_263 = arith.shli %shift_right_arithmetic3A_260, %shift_left3A_262 : vector<16xi32>
      %and3A_264 = arith.constant 255 : i32
      %and3A_265 = vector.broadcast %and3A_264 : i32 to vector<16xi32>
      %and3A_266 = arith.andi %get3A_243, %and3A_265 : vector<16xi32>
      %or3A_267 = arith.ori %shift_left3A_263, %and3A_266 : vector<16xi32>
      %swap3A_268 = arith.index_cast %mul3A_237 : i32 to index
      %swap3A_269 = tpu.vector_load %arg13[%swap3A_268] {strides = array<i32>} : memref<512xi32, #tpu.memory_space<vmem>>, vector<16xi32>,
      %swap3A_270 = vector.shape_cast %swap3A_269 : vector<16xi32> to vector<16xi32>
      %swap3A_271 = vector.shape_cast %or3A_267 : vector<16xi32> to vector<16xi32>
      tpu.vector_store %arg13[%swap3A_268], %swap3A_271 {strides = array<i32>} : memref<512xi32, #tpu.memory_space<vmem>>, vector<16xi32>,
      %scan3A_272 = arith.constant 3 : i32
      %scan3A_273 = arith.addi %scan3A_165, %scan3A_272 : i32
      %mul3A_274 = arith.constant 16 : i32
      %mul3A_275 = arith.muli %scan3A_273, %mul3A_274 : i32
      %get3A_276 = arith.index_cast %mul3A_275 : i32 to index
      %get3A_277 = tpu.vector_load %arg12[%get3A_276] {strides = array<i32>} : memref<512xi32, #tpu.memory_space<vmem>>, vector<16xi32>,
      %get3A_278 = vector.shape_cast %get3A_277 : vector<16xi32> to vector<16xi32>
      %get3A_279 = arith.index_cast %mul3A_275 : i32 to index
      %get3A_280 = tpu.vector_load %arg13[%get3A_279] {strides = array<i32>} : memref<512xi32, #tpu.memory_space<vmem>>, vector<16xi32>,
      %get3A_281 = vector.shape_cast %get3A_280 : vector<16xi32> to vector<16xi32>
      %shift_right_arithmetic3A_282 = arith.constant 11 : i32
      %shift_right_arithmetic3A_283 = vector.broadcast %shift_right_arithmetic3A_282 : i32 to vector<16xi32>
      %shift_right_arithmetic3A_284 = arith.shrsi %get3A_278, %shift_right_arithmetic3A_283 : vector<16xi32>
      %shift_left3A_285 = arith.constant 8 : i32
      %shift_left3A_286 = vector.broadcast %shift_left3A_285 : i32 to vector<16xi32>
      %shift_left3A_287 = arith.shli %shift_right_arithmetic3A_284, %shift_left3A_286 : vector<16xi32>
      %and3A_288 = arith.constant 255 : i32
      %and3A_289 = vector.broadcast %and3A_288 : i32 to vector<16xi32>
      %and3A_290 = arith.andi %get3A_278, %and3A_289 : vector<16xi32>
      %or3A_291 = arith.ori %shift_left3A_287, %and3A_290 : vector<16xi32>
      %swap3A_292 = arith.index_cast %mul3A_275 : i32 to index
      %swap3A_293 = tpu.vector_load %arg12[%swap3A_292] {strides = array<i32>} : memref<512xi32, #tpu.memory_space<vmem>>, vector<16xi32>,
      %swap3A_294 = vector.shape_cast %swap3A_293 : vector<16xi32> to vector<16xi32>
      %swap3A_295 = vector.shape_cast %or3A_291 : vector<16xi32> to vector<16xi32>
      tpu.vector_store %arg12[%swap3A_292], %swap3A_295 {strides = array<i32>} : memref<512xi32, #tpu.memory_space<vmem>>, vector<16xi32>,
      %shift_right_arithmetic3A_296 = arith.constant 11 : i32
      %shift_right_arithmetic3A_297 = vector.broadcast %shift_right_arithmetic3A_296 : i32 to vector<16xi32>
      %shift_right_arithmetic3A_298 = arith.shrsi %get3A_281, %shift_right_arithmetic3A_297 : vector<16xi32>
      %shift_left3A_299 = arith.constant 8 : i32
      %shift_left3A_300 = vector.broadcast %shift_left3A_299 : i32 to vector<16xi32>
      %shift_left3A_301 = arith.shli %shift_right_arithmetic3A_298, %shift_left3A_300 : vector<16xi32>
      %and3A_302 = arith.constant 255 : i32
      %and3A_303 = vector.broadcast %and3A_302 : i32 to vector<16xi32>
      %and3A_304 = arith.andi %get3A_281, %and3A_303 : vector<16xi32>
      %or3A_305 = arith.ori %shift_left3A_301, %and3A_304 : vector<16xi32>
      %swap3A_306 = arith.index_cast %mul3A_275 : i32 to index
      %swap3A_307 = tpu.vector_load %arg13[%swap3A_306] {strides = array<i32>} : memref<512xi32, #tpu.memory_space<vmem>>, vector<16xi32>,
      %swap3A_308 = vector.shape_cast %swap3A_307 : vector<16xi32> to vector<16xi32>
      %swap3A_309 = vector.shape_cast %or3A_305 : vector<16xi32> to vector<16xi32>
      tpu.vector_store %arg13[%swap3A_306], %swap3A_309 {strides = array<i32>} : memref<512xi32, #tpu.memory_space<vmem>>, vector<16xi32>,
    }
    %scan3A_6 = arith.constant 32 : i32
    %dma_start3A = arith.constant 0 : i32
    %dma_start3A_7 = tpu.memref_slice %arg12[%dma_start3A] : memref<512xi32, #tpu.memory_space<vmem>> -> memref<256xi32, #tpu.memory_space<vmem>>
    %dma_start3A_8 = arith.constant 0 : i32
    %dma_start3A_9 = arith.constant 0 : i32
    %dma_start3A_10 = tpu.memref_slice %arg4[%dma_start3A_8, %dma_start3A_9] : memref<125184x128xi32, #tpu.memory_space<hbm>> -> memref<125184x128xi32, #tpu.memory_space<hbm>>
    tpu.enqueue_indirect_dma source(%dma_start3A_10 : memref<125184x128xi32, #tpu.memory_space<hbm>>) target(%arg14 : memref<256x128xi32, #tpu.memory_space<vmem>>) offsets(%dma_start3A_7 : memref<256xi32, #tpu.memory_space<vmem>>) semaphore(%arg16 : memref<!tpu.dma_semaphore, #tpu.memory_space<semaphore_mem>>)
    %dma_start3A_11 = arith.constant 256 : i32
    %dma_start3A_12 = tpu.memref_slice %arg12[%dma_start3A_11] : memref<512xi32, #tpu.memory_space<vmem>> -> memref<256xi32, #tpu.memory_space<vmem>>
    %dma_start3A_13 = arith.constant 0 : i32
    %dma_start3A_14 = arith.constant 0 : i32
    %dma_start3A_15 = tpu.memref_slice %arg4[%dma_start3A_13, %dma_start3A_14] : memref<125184x128xi32, #tpu.memory_space<hbm>> -> memref<125184x128xi32, #tpu.memory_space<hbm>>
    tpu.enqueue_indirect_dma source(%dma_start3A_15 : memref<125184x128xi32, #tpu.memory_space<hbm>>) target(%arg15 : memref<256x128xi32, #tpu.memory_space<vmem>>) offsets(%dma_start3A_12 : memref<256xi32, #tpu.memory_space<vmem>>) semaphore(%arg17 : memref<!tpu.dma_semaphore, #tpu.memory_space<semaphore_mem>>)
    %dma_wait3A = arith.constant 0 : i32
    %dma_wait3A_16 = tpu.memref_slice %arg12[%dma_wait3A] : memref<512xi32, #tpu.memory_space<vmem>> -> memref<256xi32, #tpu.memory_space<vmem>>
    %dma_wait3A_17 = arith.constant 0 : i32
    %dma_wait3A_18 = arith.constant 0 : i32
    %dma_wait3A_19 = tpu.memref_slice %arg4[%dma_wait3A_17, %dma_wait3A_18] : memref<125184x128xi32, #tpu.memory_space<hbm>> -> memref<125184x128xi32, #tpu.memory_space<hbm>>
    tpu.wait_indirect_dma semaphore(%arg16 : memref<!tpu.dma_semaphore, #tpu.memory_space<semaphore_mem>>) src(%dma_wait3A_19 : memref<125184x128xi32, #tpu.memory_space<hbm>>) dst(%arg14 : memref<256x128xi32, #tpu.memory_space<vmem>>)
    %add3A_20 = arith.constant 0 : i32
    %add3A_21 = arith.addi %mul3A_2, %add3A_20 : i32
    %dma_start3A_22 = arith.constant 0 : i32
    %dma_start3A_23 = tpu.memref_slice %arg8[%add3A_21, %dma_start3A_22] : memref<16384x128xi32, #tpu.memory_space<hbm>> -> memref<256x128xi32, #tpu.memory_space<hbm>>
    %dma_start3A_24 = arith.constant 0 : i32
    %dma_start3A_25 = tpu.memref_slice %arg8[%add3A_21, %dma_start3A_24] : memref<16384x128xi32, #tpu.memory_space<hbm>> -> memref<256x128xi32, #tpu.memory_space<hbm>>
    tpu.enqueue_dma source(%arg14 : memref<256x128xi32, #tpu.memory_space<vmem>>) target(%dma_start3A_25 : memref<256x128xi32, #tpu.memory_space<hbm>>) target_semaphore(%arg18 : memref<!tpu.dma_semaphore, #tpu.memory_space<semaphore_mem>>)
    %dma_wait3A_26 = arith.constant 0 : i32
    %dma_wait3A_27 = tpu.memref_slice %arg8[%add3A_21, %dma_wait3A_26] : memref<16384x128xi32, #tpu.memory_space<hbm>> -> memref<256x128xi32, #tpu.memory_space<hbm>>
    %dma_wait3A_28 = arith.constant 0 : i32
    %dma_wait3A_29 = tpu.memref_slice %arg8[%add3A_21, %dma_wait3A_28] : memref<16384x128xi32, #tpu.memory_space<hbm>> -> memref<256x128xi32, #tpu.memory_space<hbm>>
    tpu.wait_dma2 semaphore(%arg18 : memref<!tpu.dma_semaphore, #tpu.memory_space<semaphore_mem>>) src(%arg14 : memref<256x128xi32, #tpu.memory_space<vmem>>) dst(%dma_wait3A_29 : memref<256x128xi32, #tpu.memory_space<hbm>>)
    %dma_start3A_30 = arith.constant 0 : i32
    %dma_start3A_31 = tpu.memref_slice %arg13[%dma_start3A_30] : memref<512xi32, #tpu.memory_space<vmem>> -> memref<256xi32, #tpu.memory_space<vmem>>
    %dma_start3A_32 = arith.constant 0 : i32
    %dma_start3A_33 = arith.constant 0 : i32
    %dma_start3A_34 = tpu.memref_slice %arg5[%dma_start3A_32, %dma_start3A_33] : memref<125184x128xi32, #tpu.memory_space<hbm>> -> memref<125184x128xi32, #tpu.memory_space<hbm>>
    tpu.enqueue_indirect_dma source(%dma_start3A_34 : memref<125184x128xi32, #tpu.memory_space<hbm>>) target(%arg14 : memref<256x128xi32, #tpu.memory_space<vmem>>) offsets(%dma_start3A_31 : memref<256xi32, #tpu.memory_space<vmem>>) semaphore(%arg16 : memref<!tpu.dma_semaphore, #tpu.memory_space<semaphore_mem>>)
    %dma_wait3A_35 = arith.constant 256 : i32
    %dma_wait3A_36 = tpu.memref_slice %arg12[%dma_wait3A_35] : memref<512xi32, #tpu.memory_space<vmem>> -> memref<256xi32, #tpu.memory_space<vmem>>
    %dma_wait3A_37 = arith.constant 0 : i32
    %dma_wait3A_38 = arith.constant 0 : i32
    %dma_wait3A_39 = tpu.memref_slice %arg4[%dma_wait3A_37, %dma_wait3A_38] : memref<125184x128xi32, #tpu.memory_space<hbm>> -> memref<125184x128xi32, #tpu.memory_space<hbm>>
    tpu.wait_indirect_dma semaphore(%arg17 : memref<!tpu.dma_semaphore, #tpu.memory_space<semaphore_mem>>) src(%dma_wait3A_39 : memref<125184x128xi32, #tpu.memory_space<hbm>>) dst(%arg15 : memref<256x128xi32, #tpu.memory_space<vmem>>)
    %add3A_40 = arith.constant 256 : i32
    %add3A_41 = arith.addi %mul3A_2, %add3A_40 : i32
    %dma_start3A_42 = arith.constant 0 : i32
    %dma_start3A_43 = tpu.memref_slice %arg8[%add3A_41, %dma_start3A_42] : memref<16384x128xi32, #tpu.memory_space<hbm>> -> memref<256x128xi32, #tpu.memory_space<hbm>>
    %dma_start3A_44 = arith.constant 0 : i32
    %dma_start3A_45 = tpu.memref_slice %arg8[%add3A_41, %dma_start3A_44] : memref<16384x128xi32, #tpu.memory_space<hbm>> -> memref<256x128xi32, #tpu.memory_space<hbm>>
    tpu.enqueue_dma source(%arg15 : memref<256x128xi32, #tpu.memory_space<vmem>>) target(%dma_start3A_45 : memref<256x128xi32, #tpu.memory_space<hbm>>) target_semaphore(%arg18 : memref<!tpu.dma_semaphore, #tpu.memory_space<semaphore_mem>>)
    %dma_wait3A_46 = arith.constant 0 : i32
    %dma_wait3A_47 = tpu.memref_slice %arg8[%add3A_41, %dma_wait3A_46] : memref<16384x128xi32, #tpu.memory_space<hbm>> -> memref<256x128xi32, #tpu.memory_space<hbm>>
    %dma_wait3A_48 = arith.constant 0 : i32
    %dma_wait3A_49 = tpu.memref_slice %arg8[%add3A_41, %dma_wait3A_48] : memref<16384x128xi32, #tpu.memory_space<hbm>> -> memref<256x128xi32, #tpu.memory_space<hbm>>
    tpu.wait_dma2 semaphore(%arg18 : memref<!tpu.dma_semaphore, #tpu.memory_space<semaphore_mem>>) src(%arg15 : memref<256x128xi32, #tpu.memory_space<vmem>>) dst(%dma_wait3A_49 : memref<256x128xi32, #tpu.memory_space<hbm>>)
    %dma_start3A_50 = arith.constant 256 : i32
    %dma_start3A_51 = tpu.memref_slice %arg13[%dma_start3A_50] : memref<512xi32, #tpu.memory_space<vmem>> -> memref<256xi32, #tpu.memory_space<vmem>>
    %dma_start3A_52 = arith.constant 0 : i32
    %dma_start3A_53 = arith.constant 0 : i32
    %dma_start3A_54 = tpu.memref_slice %arg5[%dma_start3A_52, %dma_start3A_53] : memref<125184x128xi32, #tpu.memory_space<hbm>> -> memref<125184x128xi32, #tpu.memory_space<hbm>>
    tpu.enqueue_indirect_dma source(%dma_start3A_54 : memref<125184x128xi32, #tpu.memory_space<hbm>>) target(%arg15 : memref<256x128xi32, #tpu.memory_space<vmem>>) offsets(%dma_start3A_51 : memref<256xi32, #tpu.memory_space<vmem>>) semaphore(%arg17 : memref<!tpu.dma_semaphore, #tpu.memory_space<semaphore_mem>>)
    %dma_wait3A_55 = arith.constant 0 : i32
    %dma_wait3A_56 = tpu.memref_slice %arg13[%dma_wait3A_55] : memref<512xi32, #tpu.memory_space<vmem>> -> memref<256xi32, #tpu.memory_space<vmem>>
    %dma_wait3A_57 = arith.constant 0 : i32
    %dma_wait3A_58 = arith.constant 0 : i32
    %dma_wait3A_59 = tpu.memref_slice %arg5[%dma_wait3A_57, %dma_wait3A_58] : memref<125184x128xi32, #tpu.memory_space<hbm>> -> memref<125184x128xi32, #tpu.memory_space<hbm>>
    tpu.wait_indirect_dma semaphore(%arg16 : memref<!tpu.dma_semaphore, #tpu.memory_space<semaphore_mem>>) src(%dma_wait3A_59 : memref<125184x128xi32, #tpu.memory_space<hbm>>) dst(%arg14 : memref<256x128xi32, #tpu.memory_space<vmem>>)
    %add3A_60 = arith.constant 0 : i32
    %add3A_61 = arith.addi %mul3A_2, %add3A_60 : i32
    %dma_start3A_62 = arith.constant 0 : i32
    %dma_start3A_63 = tpu.memref_slice %arg9[%add3A_61, %dma_start3A_62] : memref<16384x128xi32, #tpu.memory_space<hbm>> -> memref<256x128xi32, #tpu.memory_space<hbm>>
    %dma_start3A_64 = arith.constant 0 : i32
    %dma_start3A_65 = tpu.memref_slice %arg9[%add3A_61, %dma_start3A_64] : memref<16384x128xi32, #tpu.memory_space<hbm>> -> memref<256x128xi32, #tpu.memory_space<hbm>>
    tpu.enqueue_dma source(%arg14 : memref<256x128xi32, #tpu.memory_space<vmem>>) target(%dma_start3A_65 : memref<256x128xi32, #tpu.memory_space<hbm>>) target_semaphore(%arg18 : memref<!tpu.dma_semaphore, #tpu.memory_space<semaphore_mem>>)
    %dma_wait3A_66 = arith.constant 0 : i32
    %dma_wait3A_67 = tpu.memref_slice %arg9[%add3A_61, %dma_wait3A_66] : memref<16384x128xi32, #tpu.memory_space<hbm>> -> memref<256x128xi32, #tpu.memory_space<hbm>>
    %dma_wait3A_68 = arith.constant 0 : i32
    %dma_wait3A_69 = tpu.memref_slice %arg9[%add3A_61, %dma_wait3A_68] : memref<16384x128xi32, #tpu.memory_space<hbm>> -> memref<256x128xi32, #tpu.memory_space<hbm>>
    tpu.wait_dma2 semaphore(%arg18 : memref<!tpu.dma_semaphore, #tpu.memory_space<semaphore_mem>>) src(%arg14 : memref<256x128xi32, #tpu.memory_space<vmem>>) dst(%dma_wait3A_69 : memref<256x128xi32, #tpu.memory_space<hbm>>)
    %dma_start3A_70 = arith.constant 0 : i32
    %dma_start3A_71 = tpu.memref_slice %arg12[%dma_start3A_70] : memref<512xi32, #tpu.memory_space<vmem>> -> memref<256xi32, #tpu.memory_space<vmem>>
    %dma_start3A_72 = arith.constant 0 : i32
    %dma_start3A_73 = arith.constant 0 : i32
    %dma_start3A_74 = tpu.memref_slice %arg6[%dma_start3A_72, %dma_start3A_73] : memref<125184x128xi32, #tpu.memory_space<hbm>> -> memref<125184x128xi32, #tpu.memory_space<hbm>>
    tpu.enqueue_indirect_dma source(%dma_start3A_74 : memref<125184x128xi32, #tpu.memory_space<hbm>>) target(%arg14 : memref<256x128xi32, #tpu.memory_space<vmem>>) offsets(%dma_start3A_71 : memref<256xi32, #tpu.memory_space<vmem>>) semaphore(%arg16 : memref<!tpu.dma_semaphore, #tpu.memory_space<semaphore_mem>>)
    %dma_wait3A_75 = arith.constant 256 : i32
    %dma_wait3A_76 = tpu.memref_slice %arg13[%dma_wait3A_75] : memref<512xi32, #tpu.memory_space<vmem>> -> memref<256xi32, #tpu.memory_space<vmem>>
    %dma_wait3A_77 = arith.constant 0 : i32
    %dma_wait3A_78 = arith.constant 0 : i32
    %dma_wait3A_79 = tpu.memref_slice %arg5[%dma_wait3A_77, %dma_wait3A_78] : memref<125184x128xi32, #tpu.memory_space<hbm>> -> memref<125184x128xi32, #tpu.memory_space<hbm>>
    tpu.wait_indirect_dma semaphore(%arg17 : memref<!tpu.dma_semaphore, #tpu.memory_space<semaphore_mem>>) src(%dma_wait3A_79 : memref<125184x128xi32, #tpu.memory_space<hbm>>) dst(%arg15 : memref<256x128xi32, #tpu.memory_space<vmem>>)
    %add3A_80 = arith.constant 256 : i32
    %add3A_81 = arith.addi %mul3A_2, %add3A_80 : i32
    %dma_start3A_82 = arith.constant 0 : i32
    %dma_start3A_83 = tpu.memref_slice %arg9[%add3A_81, %dma_start3A_82] : memref<16384x128xi32, #tpu.memory_space<hbm>> -> memref<256x128xi32, #tpu.memory_space<hbm>>
    %dma_start3A_84 = arith.constant 0 : i32
    %dma_start3A_85 = tpu.memref_slice %arg9[%add3A_81, %dma_start3A_84] : memref<16384x128xi32, #tpu.memory_space<hbm>> -> memref<256x128xi32, #tpu.memory_space<hbm>>
    tpu.enqueue_dma source(%arg15 : memref<256x128xi32, #tpu.memory_space<vmem>>) target(%dma_start3A_85 : memref<256x128xi32, #tpu.memory_space<hbm>>) target_semaphore(%arg18 : memref<!tpu.dma_semaphore, #tpu.memory_space<semaphore_mem>>)
    %dma_wait3A_86 = arith.constant 0 : i32
    %dma_wait3A_87 = tpu.memref_slice %arg9[%add3A_81, %dma_wait3A_86] : memref<16384x128xi32, #tpu.memory_space<hbm>> -> memref<256x128xi32, #tpu.memory_space<hbm>>
    %dma_wait3A_88 = arith.constant 0 : i32
    %dma_wait3A_89 = tpu.memref_slice %arg9[%add3A_81, %dma_wait3A_88] : memref<16384x128xi32, #tpu.memory_space<hbm>> -> memref<256x128xi32, #tpu.memory_space<hbm>>
    tpu.wait_dma2 semaphore(%arg18 : memref<!tpu.dma_semaphore, #tpu.memory_space<semaphore_mem>>) src(%arg15 : memref<256x128xi32, #tpu.memory_space<vmem>>) dst(%dma_wait3A_89 : memref<256x128xi32, #tpu.memory_space<hbm>>)
    %dma_start3A_90 = arith.constant 256 : i32
    %dma_start3A_91 = tpu.memref_slice %arg12[%dma_start3A_90] : memref<512xi32, #tpu.memory_space<vmem>> -> memref<256xi32, #tpu.memory_space<vmem>>
    %dma_start3A_92 = arith.constant 0 : i32
    %dma_start3A_93 = arith.constant 0 : i32
    %dma_start3A_94 = tpu.memref_slice %arg6[%dma_start3A_92, %dma_start3A_93] : memref<125184x128xi32, #tpu.memory_space<hbm>> -> memref<125184x128xi32, #tpu.memory_space<hbm>>
    tpu.enqueue_indirect_dma source(%dma_start3A_94 : memref<125184x128xi32, #tpu.memory_space<hbm>>) target(%arg15 : memref<256x128xi32, #tpu.memory_space<vmem>>) offsets(%dma_start3A_91 : memref<256xi32, #tpu.memory_space<vmem>>) semaphore(%arg17 : memref<!tpu.dma_semaphore, #tpu.memory_space<semaphore_mem>>)
    %dma_wait3A_95 = arith.constant 0 : i32
    %dma_wait3A_96 = tpu.memref_slice %arg12[%dma_wait3A_95] : memref<512xi32, #tpu.memory_space<vmem>> -> memref<256xi32, #tpu.memory_space<vmem>>
    %dma_wait3A_97 = arith.constant 0 : i32
    %dma_wait3A_98 = arith.constant 0 : i32
    %dma_wait3A_99 = tpu.memref_slice %arg6[%dma_wait3A_97, %dma_wait3A_98] : memref<125184x128xi32, #tpu.memory_space<hbm>> -> memref<125184x128xi32, #tpu.memory_space<hbm>>
    tpu.wait_indirect_dma semaphore(%arg16 : memref<!tpu.dma_semaphore, #tpu.memory_space<semaphore_mem>>) src(%dma_wait3A_99 : memref<125184x128xi32, #tpu.memory_space<hbm>>) dst(%arg14 : memref<256x128xi32, #tpu.memory_space<vmem>>)
    %add3A_100 = arith.constant 0 : i32
    %add3A_101 = arith.addi %mul3A_2, %add3A_100 : i32
    %dma_start3A_102 = arith.constant 0 : i32
    %dma_start3A_103 = tpu.memref_slice %arg10[%add3A_101, %dma_start3A_102] : memref<16384x128xi32, #tpu.memory_space<hbm>> -> memref<256x128xi32, #tpu.memory_space<hbm>>
    %dma_start3A_104 = arith.constant 0 : i32
    %dma_start3A_105 = tpu.memref_slice %arg10[%add3A_101, %dma_start3A_104] : memref<16384x128xi32, #tpu.memory_space<hbm>> -> memref<256x128xi32, #tpu.memory_space<hbm>>
    tpu.enqueue_dma source(%arg14 : memref<256x128xi32, #tpu.memory_space<vmem>>) target(%dma_start3A_105 : memref<256x128xi32, #tpu.memory_space<hbm>>) target_semaphore(%arg18 : memref<!tpu.dma_semaphore, #tpu.memory_space<semaphore_mem>>)
    %dma_wait3A_106 = arith.constant 0 : i32
    %dma_wait3A_107 = tpu.memref_slice %arg10[%add3A_101, %dma_wait3A_106] : memref<16384x128xi32, #tpu.memory_space<hbm>> -> memref<256x128xi32, #tpu.memory_space<hbm>>
    %dma_wait3A_108 = arith.constant 0 : i32
    %dma_wait3A_109 = tpu.memref_slice %arg10[%add3A_101, %dma_wait3A_108] : memref<16384x128xi32, #tpu.memory_space<hbm>> -> memref<256x128xi32, #tpu.memory_space<hbm>>
    tpu.wait_dma2 semaphore(%arg18 : memref<!tpu.dma_semaphore, #tpu.memory_space<semaphore_mem>>) src(%arg14 : memref<256x128xi32, #tpu.memory_space<vmem>>) dst(%dma_wait3A_109 : memref<256x128xi32, #tpu.memory_space<hbm>>)
    %dma_start3A_110 = arith.constant 0 : i32
    %dma_start3A_111 = tpu.memref_slice %arg13[%dma_start3A_110] : memref<512xi32, #tpu.memory_space<vmem>> -> memref<256xi32, #tpu.memory_space<vmem>>
    %dma_start3A_112 = arith.constant 0 : i32
    %dma_start3A_113 = arith.constant 0 : i32
    %dma_start3A_114 = tpu.memref_slice %arg7[%dma_start3A_112, %dma_start3A_113] : memref<125184x128xi32, #tpu.memory_space<hbm>> -> memref<125184x128xi32, #tpu.memory_space<hbm>>
    tpu.enqueue_indirect_dma source(%dma_start3A_114 : memref<125184x128xi32, #tpu.memory_space<hbm>>) target(%arg14 : memref<256x128xi32, #tpu.memory_space<vmem>>) offsets(%dma_start3A_111 : memref<256xi32, #tpu.memory_space<vmem>>) semaphore(%arg16 : memref<!tpu.dma_semaphore, #tpu.memory_space<semaphore_mem>>)
    %dma_wait3A_115 = arith.constant 256 : i32
    %dma_wait3A_116 = tpu.memref_slice %arg12[%dma_wait3A_115] : memref<512xi32, #tpu.memory_space<vmem>> -> memref<256xi32, #tpu.memory_space<vmem>>
    %dma_wait3A_117 = arith.constant 0 : i32
    %dma_wait3A_118 = arith.constant 0 : i32
    %dma_wait3A_119 = tpu.memref_slice %arg6[%dma_wait3A_117, %dma_wait3A_118] : memref<125184x128xi32, #tpu.memory_space<hbm>> -> memref<125184x128xi32, #tpu.memory_space<hbm>>
    tpu.wait_indirect_dma semaphore(%arg17 : memref<!tpu.dma_semaphore, #tpu.memory_space<semaphore_mem>>) src(%dma_wait3A_119 : memref<125184x128xi32, #tpu.memory_space<hbm>>) dst(%arg15 : memref<256x128xi32, #tpu.memory_space<vmem>>)
    %add3A_120 = arith.constant 256 : i32
    %add3A_121 = arith.addi %mul3A_2, %add3A_120 : i32
    %dma_start3A_122 = arith.constant 0 : i32
    %dma_start3A_123 = tpu.memref_slice %arg10[%add3A_121, %dma_start3A_122] : memref<16384x128xi32, #tpu.memory_space<hbm>> -> memref<256x128xi32, #tpu.memory_space<hbm>>
    %dma_start3A_124 = arith.constant 0 : i32
    %dma_start3A_125 = tpu.memref_slice %arg10[%add3A_121, %dma_start3A_124] : memref<16384x128xi32, #tpu.memory_space<hbm>> -> memref<256x128xi32, #tpu.memory_space<hbm>>
    tpu.enqueue_dma source(%arg15 : memref<256x128xi32, #tpu.memory_space<vmem>>) target(%dma_start3A_125 : memref<256x128xi32, #tpu.memory_space<hbm>>) target_semaphore(%arg18 : memref<!tpu.dma_semaphore, #tpu.memory_space<semaphore_mem>>)
    %dma_wait3A_126 = arith.constant 0 : i32
    %dma_wait3A_127 = tpu.memref_slice %arg10[%add3A_121, %dma_wait3A_126] : memref<16384x128xi32, #tpu.memory_space<hbm>> -> memref<256x128xi32, #tpu.memory_space<hbm>>
    %dma_wait3A_128 = arith.constant 0 : i32
    %dma_wait3A_129 = tpu.memref_slice %arg10[%add3A_121, %dma_wait3A_128] : memref<16384x128xi32, #tpu.memory_space<hbm>> -> memref<256x128xi32, #tpu.memory_space<hbm>>
    tpu.wait_dma2 semaphore(%arg18 : memref<!tpu.dma_semaphore, #tpu.memory_space<semaphore_mem>>) src(%arg15 : memref<256x128xi32, #tpu.memory_space<vmem>>) dst(%dma_wait3A_129 : memref<256x128xi32, #tpu.memory_space<hbm>>)
    %dma_start3A_130 = arith.constant 256 : i32
    %dma_start3A_131 = tpu.memref_slice %arg13[%dma_start3A_130] : memref<512xi32, #tpu.memory_space<vmem>> -> memref<256xi32, #tpu.memory_space<vmem>>
    %dma_start3A_132 = arith.constant 0 : i32
    %dma_start3A_133 = arith.constant 0 : i32
    %dma_start3A_134 = tpu.memref_slice %arg7[%dma_start3A_132, %dma_start3A_133] : memref<125184x128xi32, #tpu.memory_space<hbm>> -> memref<125184x128xi32, #tpu.memory_space<hbm>>
    tpu.enqueue_indirect_dma source(%dma_start3A_134 : memref<125184x128xi32, #tpu.memory_space<hbm>>) target(%arg15 : memref<256x128xi32, #tpu.memory_space<vmem>>) offsets(%dma_start3A_131 : memref<256xi32, #tpu.memory_space<vmem>>) semaphore(%arg17 : memref<!tpu.dma_semaphore, #tpu.memory_space<semaphore_mem>>)
    %dma_wait3A_135 = arith.constant 0 : i32
    %dma_wait3A_136 = tpu.memref_slice %arg13[%dma_wait3A_135] : memref<512xi32, #tpu.memory_space<vmem>> -> memref<256xi32, #tpu.memory_space<vmem>>
    %dma_wait3A_137 = arith.constant 0 : i32
    %dma_wait3A_138 = arith.constant 0 : i32
    %dma_wait3A_139 = tpu.memref_slice %arg7[%dma_wait3A_137, %dma_wait3A_138] : memref<125184x128xi32, #tpu.memory_space<hbm>> -> memref<125184x128xi32, #tpu.memory_space<hbm>>
    tpu.wait_indirect_dma semaphore(%arg16 : memref<!tpu.dma_semaphore, #tpu.memory_space<semaphore_mem>>) src(%dma_wait3A_139 : memref<125184x128xi32, #tpu.memory_space<hbm>>) dst(%arg14 : memref<256x128xi32, #tpu.memory_space<vmem>>)
    %add3A_140 = arith.constant 0 : i32
    %add3A_141 = arith.addi %mul3A_2, %add3A_140 : i32
    %dma_start3A_142 = arith.constant 0 : i32
    %dma_start3A_143 = tpu.memref_slice %arg11[%add3A_141, %dma_start3A_142] : memref<16384x128xi32, #tpu.memory_space<hbm>> -> memref<256x128xi32, #tpu.memory_space<hbm>>
    %dma_start3A_144 = arith.constant 0 : i32
    %dma_start3A_145 = tpu.memref_slice %arg11[%add3A_141, %dma_start3A_144] : memref<16384x128xi32, #tpu.memory_space<hbm>> -> memref<256x128xi32, #tpu.memory_space<hbm>>
    tpu.enqueue_dma source(%arg14 : memref<256x128xi32, #tpu.memory_space<vmem>>) target(%dma_start3A_145 : memref<256x128xi32, #tpu.memory_space<hbm>>) target_semaphore(%arg18 : memref<!tpu.dma_semaphore, #tpu.memory_space<semaphore_mem>>)
    %dma_wait3A_146 = arith.constant 256 : i32
    %dma_wait3A_147 = tpu.memref_slice %arg13[%dma_wait3A_146] : memref<512xi32, #tpu.memory_space<vmem>> -> memref<256xi32, #tpu.memory_space<vmem>>
    %dma_wait3A_148 = arith.constant 0 : i32
    %dma_wait3A_149 = arith.constant 0 : i32
    %dma_wait3A_150 = tpu.memref_slice %arg7[%dma_wait3A_148, %dma_wait3A_149] : memref<125184x128xi32, #tpu.memory_space<hbm>> -> memref<125184x128xi32, #tpu.memory_space<hbm>>
    tpu.wait_indirect_dma semaphore(%arg17 : memref<!tpu.dma_semaphore, #tpu.memory_space<semaphore_mem>>) src(%dma_wait3A_150 : memref<125184x128xi32, #tpu.memory_space<hbm>>) dst(%arg15 : memref<256x128xi32, #tpu.memory_space<vmem>>)
    %add3A_151 = arith.constant 256 : i32
    %add3A_152 = arith.addi %mul3A_2, %add3A_151 : i32
    %dma_start3A_153 = arith.constant 0 : i32
    %dma_start3A_154 = tpu.memref_slice %arg11[%add3A_152, %dma_start3A_153] : memref<16384x128xi32, #tpu.memory_space<hbm>> -> memref<256x128xi32, #tpu.memory_space<hbm>>
    %dma_start3A_155 = arith.constant 0 : i32
    %dma_start3A_156 = tpu.memref_slice %arg11[%add3A_152, %dma_start3A_155] : memref<16384x128xi32, #tpu.memory_space<hbm>> -> memref<256x128xi32, #tpu.memory_space<hbm>>
    tpu.enqueue_dma source(%arg15 : memref<256x128xi32, #tpu.memory_space<vmem>>) target(%dma_start3A_156 : memref<256x128xi32, #tpu.memory_space<hbm>>) target_semaphore(%arg18 : memref<!tpu.dma_semaphore, #tpu.memory_space<semaphore_mem>>)
    %dma_wait3A_157 = arith.constant 0 : i32
    %dma_wait3A_158 = tpu.memref_slice %arg11[%add3A_141, %dma_wait3A_157] : memref<16384x128xi32, #tpu.memory_space<hbm>> -> memref<256x128xi32, #tpu.memory_space<hbm>>
    %dma_wait3A_159 = arith.constant 0 : i32
    %dma_wait3A_160 = tpu.memref_slice %arg11[%add3A_141, %dma_wait3A_159] : memref<16384x128xi32, #tpu.memory_space<hbm>> -> memref<256x128xi32, #tpu.memory_space<hbm>>
    tpu.wait_dma2 semaphore(%arg18 : memref<!tpu.dma_semaphore, #tpu.memory_space<semaphore_mem>>) src(%arg14 : memref<256x128xi32, #tpu.memory_space<vmem>>) dst(%dma_wait3A_160 : memref<256x128xi32, #tpu.memory_space<hbm>>)
    %dma_wait3A_161 = arith.constant 0 : i32
    %dma_wait3A_162 = tpu.memref_slice %arg11[%add3A_152, %dma_wait3A_161] : memref<16384x128xi32, #tpu.memory_space<hbm>> -> memref<256x128xi32, #tpu.memory_space<hbm>>
    %dma_wait3A_163 = arith.constant 0 : i32
    %dma_wait3A_164 = tpu.memref_slice %arg11[%add3A_152, %dma_wait3A_163] : memref<16384x128xi32, #tpu.memory_space<hbm>> -> memref<256x128xi32, #tpu.memory_space<hbm>>
    tpu.wait_dma2 semaphore(%arg18 : memref<!tpu.dma_semaphore, #tpu.memory_space<semaphore_mem>>) src(%arg15 : memref<256x128xi32, #tpu.memory_space<vmem>>) dst(%dma_wait3A_164 : memref<256x128xi32, #tpu.memory_space<hbm>>)
    return
  }
}

module attributes {stable_mosaic.version = 14 : i64} {
  func.func @_mlp_body(%arg0: i32, %arg1: memref<2048x1xi32, #tpu.memory_space<vmem>>, %arg2: memref<2048x1xi32, #tpu.memory_space<vmem>>, %arg3: memref<2048x128xi32, #tpu.memory_space<vmem>>, %arg4: memref<2048x128xi32, #tpu.memory_space<vmem>>, %arg5: memref<2048x128xi32, #tpu.memory_space<vmem>>, %arg6: memref<2048x128xi32, #tpu.memory_space<vmem>>, %arg7: memref<64x32xf32, #tpu.memory_space<vmem>>, %arg8: memref<1x32xf32, #tpu.memory_space<vmem>>, %arg9: memref<32x16xf32, #tpu.memory_space<vmem>>, %arg10: memref<1x16xf32, #tpu.memory_space<vmem>>, %arg11: memref<16x8xf32, #tpu.memory_space<vmem>>, %arg12: memref<1x8xf32, #tpu.memory_space<vmem>>, %arg13: memref<32x1xf32, #tpu.memory_space<vmem>>, %arg14: memref<8x1xf32, #tpu.memory_space<vmem>>, %arg15: memref<1x1xf32, #tpu.memory_space<vmem>>, %arg16: memref<2048x1xf32, #tpu.memory_space<vmem>>) attributes {dimension_semantics = [#tpu.dimension_semantics<arbitrary>], iteration_bounds = array<i64: 8>, scalar_prefetch = 0 : i64, scratch_operands = 0 : i64, tpu.core_type = #tpu.core_type<tc>, window_params = [{transform_indices = @transform_0, window_bounds = array<i64: 2048, 1>}, {transform_indices = @transform_1, window_bounds = array<i64: 2048, 1>}, {transform_indices = @transform_2, window_bounds = array<i64: 2048, 128>}, {transform_indices = @transform_3, window_bounds = array<i64: 2048, 128>}, {transform_indices = @transform_4, window_bounds = array<i64: 2048, 128>}, {transform_indices = @transform_5, window_bounds = array<i64: 2048, 128>}, {pipeline_mode = #tpu.pipeline_mode<synchronous>, transform_indices = @transform_6, window_bounds = array<i64: 64, 32>}, {pipeline_mode = #tpu.pipeline_mode<synchronous>, transform_indices = @transform_7, window_bounds = array<i64: 1, 32>}, {pipeline_mode = #tpu.pipeline_mode<synchronous>, transform_indices = @transform_8, window_bounds = array<i64: 32, 16>}, {pipeline_mode = #tpu.pipeline_mode<synchronous>, transform_indices = @transform_9, window_bounds = array<i64: 1, 16>}, {pipeline_mode = #tpu.pipeline_mode<synchronous>, transform_indices = @transform_10, window_bounds = array<i64: 16, 8>}, {pipeline_mode = #tpu.pipeline_mode<synchronous>, transform_indices = @transform_11, window_bounds = array<i64: 1, 8>}, {pipeline_mode = #tpu.pipeline_mode<synchronous>, transform_indices = @transform_12, window_bounds = array<i64: 32, 1>}, {pipeline_mode = #tpu.pipeline_mode<synchronous>, transform_indices = @transform_13, window_bounds = array<i64: 8, 1>}, {pipeline_mode = #tpu.pipeline_mode<synchronous>, transform_indices = @transform_14, window_bounds = array<i64: 1, 1>}, {transform_indices = @transform_15, window_bounds = array<i64: 2048, 1>}]} {
    %get3A = arith.constant 0 : index
    %get3A_0 = arith.constant 0 : index
    %get3A_1 = vector.load %arg1[%get3A, %get3A_0] : memref<2048x1xi32, #tpu.memory_space<vmem>>, vector<2048x1xi32>
    %get3A_2 = arith.constant 0 : index
    %get3A_3 = arith.constant 0 : index
    %get3A_4 = vector.load %arg2[%get3A_2, %get3A_3] : memref<2048x1xi32, #tpu.memory_space<vmem>>, vector<2048x1xi32>
    %shift_right_arithmetic3A = arith.constant 9 : i32
    %shift_right_arithmetic3A_5 = vector.broadcast %shift_right_arithmetic3A : i32 to vector<2048x1xi32>
    %shift_right_arithmetic3A_6 = arith.shrsi %get3A_1, %shift_right_arithmetic3A_5 : vector<2048x1xi32>
    %and3A = arith.constant 3 : i32
    %and3A_7 = vector.broadcast %and3A : i32 to vector<2048x1xi32>
    %and3A_8 = arith.andi %shift_right_arithmetic3A_6, %and3A_7 : vector<2048x1xi32>
    %shift_right_arithmetic3A_9 = arith.constant 9 : i32
    %shift_right_arithmetic3A_10 = vector.broadcast %shift_right_arithmetic3A_9 : i32 to vector<2048x1xi32>
    %shift_right_arithmetic3A_11 = arith.shrsi %get3A_4, %shift_right_arithmetic3A_10 : vector<2048x1xi32>
    %and3A_12 = arith.constant 3 : i32
    %and3A_13 = vector.broadcast %and3A_12 : i32 to vector<2048x1xi32>
    %and3A_14 = arith.andi %shift_right_arithmetic3A_11, %and3A_13 : vector<2048x1xi32>
    %shift_right_arithmetic3A_15 = arith.constant 8 : i32
    %shift_right_arithmetic3A_16 = vector.broadcast %shift_right_arithmetic3A_15 : i32 to vector<2048x1xi32>
    %shift_right_arithmetic3A_17 = arith.shrsi %get3A_1, %shift_right_arithmetic3A_16 : vector<2048x1xi32>
    %and3A_18 = arith.constant 1 : i32
    %and3A_19 = vector.broadcast %and3A_18 : i32 to vector<2048x1xi32>
    %and3A_20 = arith.andi %shift_right_arithmetic3A_17, %and3A_19 : vector<2048x1xi32>
    %mul3A = arith.constant 16 : i32
    %mul3A_21 = vector.broadcast %mul3A : i32 to vector<2048x1xi32>
    %mul3A_22 = arith.muli %and3A_20, %mul3A_21 : vector<2048x1xi32>
    %broadcast_in_dim3A = vector.shape_cast %mul3A_22 : vector<2048x1xi32> to vector<2048x1xi32>
    %broadcast_in_dim3A_23 = vector.broadcast %broadcast_in_dim3A : vector<2048x1xi32> to vector<2048x32xi32>
    %shift_right_arithmetic3A_24 = arith.constant 8 : i32
    %shift_right_arithmetic3A_25 = vector.broadcast %shift_right_arithmetic3A_24 : i32 to vector<2048x1xi32>
    %shift_right_arithmetic3A_26 = arith.shrsi %get3A_4, %shift_right_arithmetic3A_25 : vector<2048x1xi32>
    %and3A_27 = arith.constant 1 : i32
    %and3A_28 = vector.broadcast %and3A_27 : i32 to vector<2048x1xi32>
    %and3A_29 = arith.andi %shift_right_arithmetic3A_26, %and3A_28 : vector<2048x1xi32>
    %mul3A_30 = arith.constant 16 : i32
    %mul3A_31 = vector.broadcast %mul3A_30 : i32 to vector<2048x1xi32>
    %mul3A_32 = arith.muli %and3A_29, %mul3A_31 : vector<2048x1xi32>
    %broadcast_in_dim3A_33 = vector.shape_cast %mul3A_32 : vector<2048x1xi32> to vector<2048x1xi32>
    %broadcast_in_dim3A_34 = vector.broadcast %broadcast_in_dim3A_33 : vector<2048x1xi32> to vector<2048x32xi32>
    %get3A_35 = arith.constant 0 : index
    %get3A_36 = arith.constant 0 : index
    %get3A_37 = vector.load %arg3[%get3A_35, %get3A_36] : memref<2048x128xi32, #tpu.memory_space<vmem>>, vector<2048x128xi32>
    %broadcast_in_dim3A_38 = arith.constant 0 : i32
    %broadcast_in_dim3A_39 = vector.broadcast %broadcast_in_dim3A_38 : i32 to vector<2048x32xi32>
    %eq3A = arith.constant 0 : i32
    %eq3A_40 = vector.broadcast %eq3A : i32 to vector<2048x1xi32>
    %eq3A_41 = arith.cmpi eq, %and3A_8, %eq3A_40 : vector<2048x1xi32>
    %broadcast_in_dim3A_42 = vector.shape_cast %eq3A_41 : vector<2048x1xi1> to vector<2048x1xi1>
    %broadcast_in_dim3A_43 = vector.broadcast %broadcast_in_dim3A_42 : vector<2048x1xi1> to vector<2048x32xi1>
    %slice3A = vector.extract_strided_slice %get3A_37 {offsets = [0, 0], sizes = [2048, 32], strides = [1, 1]} : vector<2048x128xi32> to vector<2048x32xi32>
    %jit3A = arith.constant 0 : i32
    %broadcast_in_dim3A_44 = vector.broadcast %jit3A : i32 to vector<2048x32xi32>
    %select_n3A = arith.select %broadcast_in_dim3A_43, %slice3A, %broadcast_in_dim3A_44 : vector<2048x32xi1>, vector<2048x32xi32>
    %add3A = arith.addi %broadcast_in_dim3A_39, %select_n3A : vector<2048x32xi32>
    %eq3A_45 = arith.constant 1 : i32
    %eq3A_46 = vector.broadcast %eq3A_45 : i32 to vector<2048x1xi32>
    %eq3A_47 = arith.cmpi eq, %and3A_8, %eq3A_46 : vector<2048x1xi32>
    %broadcast_in_dim3A_48 = vector.shape_cast %eq3A_47 : vector<2048x1xi1> to vector<2048x1xi1>
    %broadcast_in_dim3A_49 = vector.broadcast %broadcast_in_dim3A_48 : vector<2048x1xi1> to vector<2048x32xi1>
    %slice3A_50 = vector.extract_strided_slice %get3A_37 {offsets = [0, 32], sizes = [2048, 32], strides = [1, 1]} : vector<2048x128xi32> to vector<2048x32xi32>
    %jit3A_51 = arith.constant 0 : i32
    %broadcast_in_dim3A_52 = vector.broadcast %jit3A_51 : i32 to vector<2048x32xi32>
    %select_n3A_53 = arith.select %broadcast_in_dim3A_49, %slice3A_50, %broadcast_in_dim3A_52 : vector<2048x32xi1>, vector<2048x32xi32>
    %add3A_54 = arith.addi %add3A, %select_n3A_53 : vector<2048x32xi32>
    %eq3A_55 = arith.constant 2 : i32
    %eq3A_56 = vector.broadcast %eq3A_55 : i32 to vector<2048x1xi32>
    %eq3A_57 = arith.cmpi eq, %and3A_8, %eq3A_56 : vector<2048x1xi32>
    %broadcast_in_dim3A_58 = vector.shape_cast %eq3A_57 : vector<2048x1xi1> to vector<2048x1xi1>
    %broadcast_in_dim3A_59 = vector.broadcast %broadcast_in_dim3A_58 : vector<2048x1xi1> to vector<2048x32xi1>
    %slice3A_60 = vector.extract_strided_slice %get3A_37 {offsets = [0, 64], sizes = [2048, 32], strides = [1, 1]} : vector<2048x128xi32> to vector<2048x32xi32>
    %jit3A_61 = arith.constant 0 : i32
    %broadcast_in_dim3A_62 = vector.broadcast %jit3A_61 : i32 to vector<2048x32xi32>
    %select_n3A_63 = arith.select %broadcast_in_dim3A_59, %slice3A_60, %broadcast_in_dim3A_62 : vector<2048x32xi1>, vector<2048x32xi32>
    %add3A_64 = arith.addi %add3A_54, %select_n3A_63 : vector<2048x32xi32>
    %eq3A_65 = arith.constant 3 : i32
    %eq3A_66 = vector.broadcast %eq3A_65 : i32 to vector<2048x1xi32>
    %eq3A_67 = arith.cmpi eq, %and3A_8, %eq3A_66 : vector<2048x1xi32>
    %broadcast_in_dim3A_68 = vector.shape_cast %eq3A_67 : vector<2048x1xi1> to vector<2048x1xi1>
    %broadcast_in_dim3A_69 = vector.broadcast %broadcast_in_dim3A_68 : vector<2048x1xi1> to vector<2048x32xi1>
    %slice3A_70 = vector.extract_strided_slice %get3A_37 {offsets = [0, 96], sizes = [2048, 32], strides = [1, 1]} : vector<2048x128xi32> to vector<2048x32xi32>
    %jit3A_71 = arith.constant 0 : i32
    %broadcast_in_dim3A_72 = vector.broadcast %jit3A_71 : i32 to vector<2048x32xi32>
    %select_n3A_73 = arith.select %broadcast_in_dim3A_69, %slice3A_70, %broadcast_in_dim3A_72 : vector<2048x32xi1>, vector<2048x32xi32>
    %add3A_74 = arith.addi %add3A_64, %select_n3A_73 : vector<2048x32xi32>
    %shift_right_arithmetic3A_75 = arith.shrsi %add3A_74, %broadcast_in_dim3A_23 : vector<2048x32xi32>
    %convert_element_type3A = arith.trunci %shift_right_arithmetic3A_75 : vector<2048x32xi32> to vector<2048x32xi16>
    %bitcast_convert_type3A = tpu.bitcast %convert_element_type3A : vector<2048x32xi16> -> vector<2048x32xbf16>
    %convert_element_type3A_76 = arith.extf %bitcast_convert_type3A : vector<2048x32xbf16> to vector<2048x32xf32>
    %get3A_77 = arith.constant 0 : index
    %get3A_78 = arith.constant 0 : index
    %get3A_79 = vector.load %arg4[%get3A_77, %get3A_78] : memref<2048x128xi32, #tpu.memory_space<vmem>>, vector<2048x128xi32>
    %broadcast_in_dim3A_80 = arith.constant 0 : i32
    %broadcast_in_dim3A_81 = vector.broadcast %broadcast_in_dim3A_80 : i32 to vector<2048x32xi32>
    %eq3A_82 = arith.constant 0 : i32
    %eq3A_83 = vector.broadcast %eq3A_82 : i32 to vector<2048x1xi32>
    %eq3A_84 = arith.cmpi eq, %and3A_14, %eq3A_83 : vector<2048x1xi32>
    %broadcast_in_dim3A_85 = vector.shape_cast %eq3A_84 : vector<2048x1xi1> to vector<2048x1xi1>
    %broadcast_in_dim3A_86 = vector.broadcast %broadcast_in_dim3A_85 : vector<2048x1xi1> to vector<2048x32xi1>
    %slice3A_87 = vector.extract_strided_slice %get3A_79 {offsets = [0, 0], sizes = [2048, 32], strides = [1, 1]} : vector<2048x128xi32> to vector<2048x32xi32>
    %jit3A_88 = arith.constant 0 : i32
    %broadcast_in_dim3A_89 = vector.broadcast %jit3A_88 : i32 to vector<2048x32xi32>
    %select_n3A_90 = arith.select %broadcast_in_dim3A_86, %slice3A_87, %broadcast_in_dim3A_89 : vector<2048x32xi1>, vector<2048x32xi32>
    %add3A_91 = arith.addi %broadcast_in_dim3A_81, %select_n3A_90 : vector<2048x32xi32>
    %eq3A_92 = arith.constant 1 : i32
    %eq3A_93 = vector.broadcast %eq3A_92 : i32 to vector<2048x1xi32>
    %eq3A_94 = arith.cmpi eq, %and3A_14, %eq3A_93 : vector<2048x1xi32>
    %broadcast_in_dim3A_95 = vector.shape_cast %eq3A_94 : vector<2048x1xi1> to vector<2048x1xi1>
    %broadcast_in_dim3A_96 = vector.broadcast %broadcast_in_dim3A_95 : vector<2048x1xi1> to vector<2048x32xi1>
    %slice3A_97 = vector.extract_strided_slice %get3A_79 {offsets = [0, 32], sizes = [2048, 32], strides = [1, 1]} : vector<2048x128xi32> to vector<2048x32xi32>
    %jit3A_98 = arith.constant 0 : i32
    %broadcast_in_dim3A_99 = vector.broadcast %jit3A_98 : i32 to vector<2048x32xi32>
    %select_n3A_100 = arith.select %broadcast_in_dim3A_96, %slice3A_97, %broadcast_in_dim3A_99 : vector<2048x32xi1>, vector<2048x32xi32>
    %add3A_101 = arith.addi %add3A_91, %select_n3A_100 : vector<2048x32xi32>
    %eq3A_102 = arith.constant 2 : i32
    %eq3A_103 = vector.broadcast %eq3A_102 : i32 to vector<2048x1xi32>
    %eq3A_104 = arith.cmpi eq, %and3A_14, %eq3A_103 : vector<2048x1xi32>
    %broadcast_in_dim3A_105 = vector.shape_cast %eq3A_104 : vector<2048x1xi1> to vector<2048x1xi1>
    %broadcast_in_dim3A_106 = vector.broadcast %broadcast_in_dim3A_105 : vector<2048x1xi1> to vector<2048x32xi1>
    %slice3A_107 = vector.extract_strided_slice %get3A_79 {offsets = [0, 64], sizes = [2048, 32], strides = [1, 1]} : vector<2048x128xi32> to vector<2048x32xi32>
    %jit3A_108 = arith.constant 0 : i32
    %broadcast_in_dim3A_109 = vector.broadcast %jit3A_108 : i32 to vector<2048x32xi32>
    %select_n3A_110 = arith.select %broadcast_in_dim3A_106, %slice3A_107, %broadcast_in_dim3A_109 : vector<2048x32xi1>, vector<2048x32xi32>
    %add3A_111 = arith.addi %add3A_101, %select_n3A_110 : vector<2048x32xi32>
    %eq3A_112 = arith.constant 3 : i32
    %eq3A_113 = vector.broadcast %eq3A_112 : i32 to vector<2048x1xi32>
    %eq3A_114 = arith.cmpi eq, %and3A_14, %eq3A_113 : vector<2048x1xi32>
    %broadcast_in_dim3A_115 = vector.shape_cast %eq3A_114 : vector<2048x1xi1> to vector<2048x1xi1>
    %broadcast_in_dim3A_116 = vector.broadcast %broadcast_in_dim3A_115 : vector<2048x1xi1> to vector<2048x32xi1>
    %slice3A_117 = vector.extract_strided_slice %get3A_79 {offsets = [0, 96], sizes = [2048, 32], strides = [1, 1]} : vector<2048x128xi32> to vector<2048x32xi32>
    %jit3A_118 = arith.constant 0 : i32
    %broadcast_in_dim3A_119 = vector.broadcast %jit3A_118 : i32 to vector<2048x32xi32>
    %select_n3A_120 = arith.select %broadcast_in_dim3A_116, %slice3A_117, %broadcast_in_dim3A_119 : vector<2048x32xi1>, vector<2048x32xi32>
    %add3A_121 = arith.addi %add3A_111, %select_n3A_120 : vector<2048x32xi32>
    %shift_right_arithmetic3A_122 = arith.shrsi %add3A_121, %broadcast_in_dim3A_34 : vector<2048x32xi32>
    %convert_element_type3A_123 = arith.trunci %shift_right_arithmetic3A_122 : vector<2048x32xi32> to vector<2048x32xi16>
    %bitcast_convert_type3A_124 = tpu.bitcast %convert_element_type3A_123 : vector<2048x32xi16> -> vector<2048x32xbf16>
    %convert_element_type3A_125 = arith.extf %bitcast_convert_type3A_124 : vector<2048x32xbf16> to vector<2048x32xf32>
    %mul3A_126 = arith.mulf %convert_element_type3A_76, %convert_element_type3A_125 : vector<2048x32xf32>
    %get3A_127 = arith.constant 0 : index
    %get3A_128 = arith.constant 0 : index
    %get3A_129 = vector.load %arg5[%get3A_127, %get3A_128] : memref<2048x128xi32, #tpu.memory_space<vmem>>, vector<2048x128xi32>
    %broadcast_in_dim3A_130 = arith.constant 0 : i32
    %broadcast_in_dim3A_131 = vector.broadcast %broadcast_in_dim3A_130 : i32 to vector<2048x32xi32>
    %eq3A_132 = arith.constant 0 : i32
    %eq3A_133 = vector.broadcast %eq3A_132 : i32 to vector<2048x1xi32>
    %eq3A_134 = arith.cmpi eq, %and3A_8, %eq3A_133 : vector<2048x1xi32>
    %broadcast_in_dim3A_135 = vector.shape_cast %eq3A_134 : vector<2048x1xi1> to vector<2048x1xi1>
    %broadcast_in_dim3A_136 = vector.broadcast %broadcast_in_dim3A_135 : vector<2048x1xi1> to vector<2048x32xi1>
    %slice3A_137 = vector.extract_strided_slice %get3A_129 {offsets = [0, 0], sizes = [2048, 32], strides = [1, 1]} : vector<2048x128xi32> to vector<2048x32xi32>
    %jit3A_138 = arith.constant 0 : i32
    %broadcast_in_dim3A_139 = vector.broadcast %jit3A_138 : i32 to vector<2048x32xi32>
    %select_n3A_140 = arith.select %broadcast_in_dim3A_136, %slice3A_137, %broadcast_in_dim3A_139 : vector<2048x32xi1>, vector<2048x32xi32>
    %add3A_141 = arith.addi %broadcast_in_dim3A_131, %select_n3A_140 : vector<2048x32xi32>
    %eq3A_142 = arith.constant 1 : i32
    %eq3A_143 = vector.broadcast %eq3A_142 : i32 to vector<2048x1xi32>
    %eq3A_144 = arith.cmpi eq, %and3A_8, %eq3A_143 : vector<2048x1xi32>
    %broadcast_in_dim3A_145 = vector.shape_cast %eq3A_144 : vector<2048x1xi1> to vector<2048x1xi1>
    %broadcast_in_dim3A_146 = vector.broadcast %broadcast_in_dim3A_145 : vector<2048x1xi1> to vector<2048x32xi1>
    %slice3A_147 = vector.extract_strided_slice %get3A_129 {offsets = [0, 32], sizes = [2048, 32], strides = [1, 1]} : vector<2048x128xi32> to vector<2048x32xi32>
    %jit3A_148 = arith.constant 0 : i32
    %broadcast_in_dim3A_149 = vector.broadcast %jit3A_148 : i32 to vector<2048x32xi32>
    %select_n3A_150 = arith.select %broadcast_in_dim3A_146, %slice3A_147, %broadcast_in_dim3A_149 : vector<2048x32xi1>, vector<2048x32xi32>
    %add3A_151 = arith.addi %add3A_141, %select_n3A_150 : vector<2048x32xi32>
    %eq3A_152 = arith.constant 2 : i32
    %eq3A_153 = vector.broadcast %eq3A_152 : i32 to vector<2048x1xi32>
    %eq3A_154 = arith.cmpi eq, %and3A_8, %eq3A_153 : vector<2048x1xi32>
    %broadcast_in_dim3A_155 = vector.shape_cast %eq3A_154 : vector<2048x1xi1> to vector<2048x1xi1>
    %broadcast_in_dim3A_156 = vector.broadcast %broadcast_in_dim3A_155 : vector<2048x1xi1> to vector<2048x32xi1>
    %slice3A_157 = vector.extract_strided_slice %get3A_129 {offsets = [0, 64], sizes = [2048, 32], strides = [1, 1]} : vector<2048x128xi32> to vector<2048x32xi32>
    %jit3A_158 = arith.constant 0 : i32
    %broadcast_in_dim3A_159 = vector.broadcast %jit3A_158 : i32 to vector<2048x32xi32>
    %select_n3A_160 = arith.select %broadcast_in_dim3A_156, %slice3A_157, %broadcast_in_dim3A_159 : vector<2048x32xi1>, vector<2048x32xi32>
    %add3A_161 = arith.addi %add3A_151, %select_n3A_160 : vector<2048x32xi32>
    %eq3A_162 = arith.constant 3 : i32
    %eq3A_163 = vector.broadcast %eq3A_162 : i32 to vector<2048x1xi32>
    %eq3A_164 = arith.cmpi eq, %and3A_8, %eq3A_163 : vector<2048x1xi32>
    %broadcast_in_dim3A_165 = vector.shape_cast %eq3A_164 : vector<2048x1xi1> to vector<2048x1xi1>
    %broadcast_in_dim3A_166 = vector.broadcast %broadcast_in_dim3A_165 : vector<2048x1xi1> to vector<2048x32xi1>
    %slice3A_167 = vector.extract_strided_slice %get3A_129 {offsets = [0, 96], sizes = [2048, 32], strides = [1, 1]} : vector<2048x128xi32> to vector<2048x32xi32>
    %jit3A_168 = arith.constant 0 : i32
    %broadcast_in_dim3A_169 = vector.broadcast %jit3A_168 : i32 to vector<2048x32xi32>
    %select_n3A_170 = arith.select %broadcast_in_dim3A_166, %slice3A_167, %broadcast_in_dim3A_169 : vector<2048x32xi1>, vector<2048x32xi32>
    %add3A_171 = arith.addi %add3A_161, %select_n3A_170 : vector<2048x32xi32>
    %shift_right_arithmetic3A_172 = arith.shrsi %add3A_171, %broadcast_in_dim3A_23 : vector<2048x32xi32>
    %convert_element_type3A_173 = arith.trunci %shift_right_arithmetic3A_172 : vector<2048x32xi32> to vector<2048x32xi16>
    %bitcast_convert_type3A_174 = tpu.bitcast %convert_element_type3A_173 : vector<2048x32xi16> -> vector<2048x32xbf16>
    %convert_element_type3A_175 = arith.extf %bitcast_convert_type3A_174 : vector<2048x32xbf16> to vector<2048x32xf32>
    %get3A_176 = arith.constant 0 : index
    %get3A_177 = arith.constant 0 : index
    %get3A_178 = vector.load %arg6[%get3A_176, %get3A_177] : memref<2048x128xi32, #tpu.memory_space<vmem>>, vector<2048x128xi32>
    %broadcast_in_dim3A_179 = arith.constant 0 : i32
    %broadcast_in_dim3A_180 = vector.broadcast %broadcast_in_dim3A_179 : i32 to vector<2048x32xi32>
    %eq3A_181 = arith.constant 0 : i32
    %eq3A_182 = vector.broadcast %eq3A_181 : i32 to vector<2048x1xi32>
    %eq3A_183 = arith.cmpi eq, %and3A_14, %eq3A_182 : vector<2048x1xi32>
    %broadcast_in_dim3A_184 = vector.shape_cast %eq3A_183 : vector<2048x1xi1> to vector<2048x1xi1>
    %broadcast_in_dim3A_185 = vector.broadcast %broadcast_in_dim3A_184 : vector<2048x1xi1> to vector<2048x32xi1>
    %slice3A_186 = vector.extract_strided_slice %get3A_178 {offsets = [0, 0], sizes = [2048, 32], strides = [1, 1]} : vector<2048x128xi32> to vector<2048x32xi32>
    %jit3A_187 = arith.constant 0 : i32
    %broadcast_in_dim3A_188 = vector.broadcast %jit3A_187 : i32 to vector<2048x32xi32>
    %select_n3A_189 = arith.select %broadcast_in_dim3A_185, %slice3A_186, %broadcast_in_dim3A_188 : vector<2048x32xi1>, vector<2048x32xi32>
    %add3A_190 = arith.addi %broadcast_in_dim3A_180, %select_n3A_189 : vector<2048x32xi32>
    %eq3A_191 = arith.constant 1 : i32
    %eq3A_192 = vector.broadcast %eq3A_191 : i32 to vector<2048x1xi32>
    %eq3A_193 = arith.cmpi eq, %and3A_14, %eq3A_192 : vector<2048x1xi32>
    %broadcast_in_dim3A_194 = vector.shape_cast %eq3A_193 : vector<2048x1xi1> to vector<2048x1xi1>
    %broadcast_in_dim3A_195 = vector.broadcast %broadcast_in_dim3A_194 : vector<2048x1xi1> to vector<2048x32xi1>
    %slice3A_196 = vector.extract_strided_slice %get3A_178 {offsets = [0, 32], sizes = [2048, 32], strides = [1, 1]} : vector<2048x128xi32> to vector<2048x32xi32>
    %jit3A_197 = arith.constant 0 : i32
    %broadcast_in_dim3A_198 = vector.broadcast %jit3A_197 : i32 to vector<2048x32xi32>
    %select_n3A_199 = arith.select %broadcast_in_dim3A_195, %slice3A_196, %broadcast_in_dim3A_198 : vector<2048x32xi1>, vector<2048x32xi32>
    %add3A_200 = arith.addi %add3A_190, %select_n3A_199 : vector<2048x32xi32>
    %eq3A_201 = arith.constant 2 : i32
    %eq3A_202 = vector.broadcast %eq3A_201 : i32 to vector<2048x1xi32>
    %eq3A_203 = arith.cmpi eq, %and3A_14, %eq3A_202 : vector<2048x1xi32>
    %broadcast_in_dim3A_204 = vector.shape_cast %eq3A_203 : vector<2048x1xi1> to vector<2048x1xi1>
    %broadcast_in_dim3A_205 = vector.broadcast %broadcast_in_dim3A_204 : vector<2048x1xi1> to vector<2048x32xi1>
    %slice3A_206 = vector.extract_strided_slice %get3A_178 {offsets = [0, 64], sizes = [2048, 32], strides = [1, 1]} : vector<2048x128xi32> to vector<2048x32xi32>
    %jit3A_207 = arith.constant 0 : i32
    %broadcast_in_dim3A_208 = vector.broadcast %jit3A_207 : i32 to vector<2048x32xi32>
    %select_n3A_209 = arith.select %broadcast_in_dim3A_205, %slice3A_206, %broadcast_in_dim3A_208 : vector<2048x32xi1>, vector<2048x32xi32>
    %add3A_210 = arith.addi %add3A_200, %select_n3A_209 : vector<2048x32xi32>
    %eq3A_211 = arith.constant 3 : i32
    %eq3A_212 = vector.broadcast %eq3A_211 : i32 to vector<2048x1xi32>
    %eq3A_213 = arith.cmpi eq, %and3A_14, %eq3A_212 : vector<2048x1xi32>
    %broadcast_in_dim3A_214 = vector.shape_cast %eq3A_213 : vector<2048x1xi1> to vector<2048x1xi1>
    %broadcast_in_dim3A_215 = vector.broadcast %broadcast_in_dim3A_214 : vector<2048x1xi1> to vector<2048x32xi1>
    %slice3A_216 = vector.extract_strided_slice %get3A_178 {offsets = [0, 96], sizes = [2048, 32], strides = [1, 1]} : vector<2048x128xi32> to vector<2048x32xi32>
    %jit3A_217 = arith.constant 0 : i32
    %broadcast_in_dim3A_218 = vector.broadcast %jit3A_217 : i32 to vector<2048x32xi32>
    %select_n3A_219 = arith.select %broadcast_in_dim3A_215, %slice3A_216, %broadcast_in_dim3A_218 : vector<2048x32xi1>, vector<2048x32xi32>
    %add3A_220 = arith.addi %add3A_210, %select_n3A_219 : vector<2048x32xi32>
    %shift_right_arithmetic3A_221 = arith.shrsi %add3A_220, %broadcast_in_dim3A_34 : vector<2048x32xi32>
    %convert_element_type3A_222 = arith.trunci %shift_right_arithmetic3A_221 : vector<2048x32xi32> to vector<2048x32xi16>
    %bitcast_convert_type3A_223 = tpu.bitcast %convert_element_type3A_222 : vector<2048x32xi16> -> vector<2048x32xbf16>
    %convert_element_type3A_224 = arith.extf %bitcast_convert_type3A_223 : vector<2048x32xbf16> to vector<2048x32xf32>
    %concatenate3A = tpu.concatenate %convert_element_type3A_175, %convert_element_type3A_224 in 1 : vector<2048x32xf32>, vector<2048x32xf32> -> vector<2048x64xf32>
    %get3A_225 = arith.constant 0 : index
    %get3A_226 = arith.constant 0 : index
    %get3A_227 = vector.load %arg7[%get3A_225, %get3A_226] : memref<64x32xf32, #tpu.memory_space<vmem>>, vector<64x32xf32>
    %dot_general3A = arith.constant dense<0.000000e+00> : vector<2048x32xf32>
    %dot_general3A_228 = tpu.matmul %concatenate3A, %get3A_227, %dot_general3A {dimension_numbers = #tpu.dot_dimension_numbers<[1], [0], [0], [1], [0, 0, 1, 1], [], []>, transpose_lhs_hint = false} : vector<2048x64xf32>, vector<64x32xf32>, vector<2048x32xf32> -> vector<2048x32xf32>
    %get3A_229 = arith.constant 0 : index
    %get3A_230 = arith.constant 0 : index
    %get3A_231 = vector.load %arg8[%get3A_229, %get3A_230] : memref<1x32xf32, #tpu.memory_space<vmem>>, vector<1x32xf32>
    %add3A_232 = vector.broadcast %get3A_231 : vector<1x32xf32> to vector<2048x32xf32>
    %add3A_233 = arith.addf %dot_general3A_228, %add3A_232 : vector<2048x32xf32>
    %max3A = arith.constant 0.000000e+00 : f32
    %max3A_234 = vector.broadcast %max3A : f32 to vector<2048x32xf32>
    %max3A_235 = arith.maximumf %add3A_233, %max3A_234 : vector<2048x32xf32>
    %get3A_236 = arith.constant 0 : index
    %get3A_237 = arith.constant 0 : index
    %get3A_238 = vector.load %arg9[%get3A_236, %get3A_237] : memref<32x16xf32, #tpu.memory_space<vmem>>, vector<32x16xf32>
    %dot_general3A_239 = arith.constant dense<0.000000e+00> : vector<2048x16xf32>
    %dot_general3A_240 = tpu.matmul %max3A_235, %get3A_238, %dot_general3A_239 {dimension_numbers = #tpu.dot_dimension_numbers<[1], [0], [0], [1], [0, 0, 1, 1], [], []>, transpose_lhs_hint = false} : vector<2048x32xf32>, vector<32x16xf32>, vector<2048x16xf32> -> vector<2048x16xf32>
    %get3A_241 = arith.constant 0 : index
    %get3A_242 = arith.constant 0 : index
    %get3A_243 = vector.load %arg10[%get3A_241, %get3A_242] : memref<1x16xf32, #tpu.memory_space<vmem>>, vector<1x16xf32>
    %add3A_244 = vector.broadcast %get3A_243 : vector<1x16xf32> to vector<2048x16xf32>
    %add3A_245 = arith.addf %dot_general3A_240, %add3A_244 : vector<2048x16xf32>
    %max3A_246 = arith.constant 0.000000e+00 : f32
    %max3A_247 = vector.broadcast %max3A_246 : f32 to vector<2048x16xf32>
    %max3A_248 = arith.maximumf %add3A_245, %max3A_247 : vector<2048x16xf32>
    %get3A_249 = arith.constant 0 : index
    %get3A_250 = arith.constant 0 : index
    %get3A_251 = vector.load %arg11[%get3A_249, %get3A_250] : memref<16x8xf32, #tpu.memory_space<vmem>>, vector<16x8xf32>
    %dot_general3A_252 = arith.constant dense<0.000000e+00> : vector<2048x8xf32>
    %dot_general3A_253 = tpu.matmul %max3A_248, %get3A_251, %dot_general3A_252 {dimension_numbers = #tpu.dot_dimension_numbers<[1], [0], [0], [1], [0, 0, 1, 1], [], []>, transpose_lhs_hint = false} : vector<2048x16xf32>, vector<16x8xf32>, vector<2048x8xf32> -> vector<2048x8xf32>
    %get3A_254 = arith.constant 0 : index
    %get3A_255 = arith.constant 0 : index
    %get3A_256 = vector.load %arg12[%get3A_254, %get3A_255] : memref<1x8xf32, #tpu.memory_space<vmem>>, vector<1x8xf32>
    %add3A_257 = vector.broadcast %get3A_256 : vector<1x8xf32> to vector<2048x8xf32>
    %add3A_258 = arith.addf %dot_general3A_253, %add3A_257 : vector<2048x8xf32>
    %max3A_259 = arith.constant 0.000000e+00 : f32
    %max3A_260 = vector.broadcast %max3A_259 : f32 to vector<2048x8xf32>
    %max3A_261 = arith.maximumf %add3A_258, %max3A_260 : vector<2048x8xf32>
    %get3A_262 = arith.constant 0 : index
    %get3A_263 = arith.constant 0 : index
    %get3A_264 = vector.load %arg13[%get3A_262, %get3A_263] : memref<32x1xf32, #tpu.memory_space<vmem>>, vector<32x1xf32>
    %dot_general3A_265 = arith.constant dense<0.000000e+00> : vector<2048x1xf32>
    %dot_general3A_266 = tpu.matmul %mul3A_126, %get3A_264, %dot_general3A_265 {dimension_numbers = #tpu.dot_dimension_numbers<[1], [0], [0], [1], [0, 0, 1, 1], [], []>, transpose_lhs_hint = false} : vector<2048x32xf32>, vector<32x1xf32>, vector<2048x1xf32> -> vector<2048x1xf32>
    %get3A_267 = arith.constant 0 : index
    %get3A_268 = arith.constant 0 : index
    %get3A_269 = vector.load %arg14[%get3A_267, %get3A_268] : memref<8x1xf32, #tpu.memory_space<vmem>>, vector<8x1xf32>
    %dot_general3A_270 = arith.constant dense<0.000000e+00> : vector<2048x1xf32>
    %dot_general3A_271 = tpu.matmul %max3A_261, %get3A_269, %dot_general3A_270 {dimension_numbers = #tpu.dot_dimension_numbers<[1], [0], [0], [1], [0, 0, 1, 1], [], []>, transpose_lhs_hint = false} : vector<2048x8xf32>, vector<8x1xf32>, vector<2048x1xf32> -> vector<2048x1xf32>
    %add3A_272 = arith.addf %dot_general3A_266, %dot_general3A_271 : vector<2048x1xf32>
    %get3A_273 = arith.constant 0 : index
    %get3A_274 = arith.constant 0 : index
    %get3A_275 = vector.load %arg15[%get3A_273, %get3A_274] : memref<1x1xf32, #tpu.memory_space<vmem>>, vector<1x1xf32>
    %get3A_276 = vector.extract %get3A_275[0, 0] : f32 from vector<1x1xf32>
    %add3A_277 = vector.broadcast %get3A_276 : f32 to vector<2048x1xf32>
    %add3A_278 = arith.addf %add3A_272, %add3A_277 : vector<2048x1xf32>
    %logistic3A = arith.negf %add3A_278 : vector<2048x1xf32>
    %logistic3A_279 = math.exp %logistic3A : vector<2048x1xf32>
    %logistic3A_280 = arith.constant 1.000000e+00 : f32
    %logistic3A_281 = vector.broadcast %logistic3A_280 : f32 to vector<2048x1xf32>
    %logistic3A_282 = arith.addf %logistic3A_281, %logistic3A_279 : vector<2048x1xf32>
    %logistic3A_283 = arith.divf %logistic3A_281, %logistic3A_282 : vector<2048x1xf32>
    %swap3A = arith.constant 0 : index
    %swap3A_284 = arith.constant 0 : index
    %swap3A_285 = vector.load %arg16[%swap3A, %swap3A_284] : memref<2048x1xf32, #tpu.memory_space<vmem>>, vector<2048x1xf32>
    tpu.vector_store %arg16[%swap3A, %swap3A_284], %logistic3A_283 {strides = array<i32>} : memref<2048x1xf32, #tpu.memory_space<vmem>>, vector<2048x1xf32>,
    return
  }
  func.func @transform_0(%arg0: i32) -> (i32, i32) {
    %c0_i32 = arith.constant 0 : i32
    %c0_i32_0 = arith.constant 0 : i32
    return %arg0, %c0_i32 : i32, i32
  }
  func.func @transform_1(%arg0: i32) -> (i32, i32) {
    %c0_i32 = arith.constant 0 : i32
    %c0_i32_0 = arith.constant 0 : i32
    return %arg0, %c0_i32 : i32, i32
  }
  func.func @transform_2(%arg0: i32) -> (i32, i32) {
    %c0_i32 = arith.constant 0 : i32
    %c0_i32_0 = arith.constant 0 : i32
    return %arg0, %c0_i32 : i32, i32
  }
  func.func @transform_3(%arg0: i32) -> (i32, i32) {
    %c0_i32 = arith.constant 0 : i32
    %c0_i32_0 = arith.constant 0 : i32
    return %arg0, %c0_i32 : i32, i32
  }
  func.func @transform_4(%arg0: i32) -> (i32, i32) {
    %c0_i32 = arith.constant 0 : i32
    %c0_i32_0 = arith.constant 0 : i32
    return %arg0, %c0_i32 : i32, i32
  }
  func.func @transform_5(%arg0: i32) -> (i32, i32) {
    %c0_i32 = arith.constant 0 : i32
    %c0_i32_0 = arith.constant 0 : i32
    return %arg0, %c0_i32 : i32, i32
  }
  func.func @transform_6(%arg0: i32) -> (i32, i32) {
    %c0_i32 = arith.constant 0 : i32
    %c0_i32_0 = arith.constant 0 : i32
    %c0_i32_1 = arith.constant 0 : i32
    return %c0_i32, %c0_i32_0 : i32, i32
  }
  func.func @transform_7(%arg0: i32) -> (i32, i32) {
    %c0_i32 = arith.constant 0 : i32
    %c0_i32_0 = arith.constant 0 : i32
    %c0_i32_1 = arith.constant 0 : i32
    return %c0_i32, %c0_i32_0 : i32, i32
  }
  func.func @transform_8(%arg0: i32) -> (i32, i32) {
    %c0_i32 = arith.constant 0 : i32
    %c0_i32_0 = arith.constant 0 : i32
    %c0_i32_1 = arith.constant 0 : i32
    return %c0_i32, %c0_i32_0 : i32, i32
  }
  func.func @transform_9(%arg0: i32) -> (i32, i32) {
    %c0_i32 = arith.constant 0 : i32
    %c0_i32_0 = arith.constant 0 : i32
    %c0_i32_1 = arith.constant 0 : i32
    return %c0_i32, %c0_i32_0 : i32, i32
  }
  func.func @transform_10(%arg0: i32) -> (i32, i32) {
    %c0_i32 = arith.constant 0 : i32
    %c0_i32_0 = arith.constant 0 : i32
    %c0_i32_1 = arith.constant 0 : i32
    return %c0_i32, %c0_i32_0 : i32, i32
  }
  func.func @transform_11(%arg0: i32) -> (i32, i32) {
    %c0_i32 = arith.constant 0 : i32
    %c0_i32_0 = arith.constant 0 : i32
    %c0_i32_1 = arith.constant 0 : i32
    return %c0_i32, %c0_i32_0 : i32, i32
  }
  func.func @transform_12(%arg0: i32) -> (i32, i32) {
    %c0_i32 = arith.constant 0 : i32
    %c0_i32_0 = arith.constant 0 : i32
    %c0_i32_1 = arith.constant 0 : i32
    return %c0_i32, %c0_i32_0 : i32, i32
  }
  func.func @transform_13(%arg0: i32) -> (i32, i32) {
    %c0_i32 = arith.constant 0 : i32
    %c0_i32_0 = arith.constant 0 : i32
    %c0_i32_1 = arith.constant 0 : i32
    return %c0_i32, %c0_i32_0 : i32, i32
  }
  func.func @transform_14(%arg0: i32) -> (i32, i32) {
    %c0_i32 = arith.constant 0 : i32
    %c0_i32_0 = arith.constant 0 : i32
    %c0_i32_1 = arith.constant 0 : i32
    return %c0_i32, %c0_i32_0 : i32, i32
  }
  func.func @transform_15(%arg0: i32) -> (i32, i32) {
    %c0_i32 = arith.constant 0 : i32
    %c0_i32_0 = arith.constant 0 : i32
    return %arg0, %c0_i32 : i32, i32
  }
}

module attributes {stable_mosaic.version = 14 : i64} {
  func.func @_pack_body(%arg0: i32, %arg1: memref<32x2048xf32, #tpu.memory_space<vmem>>, %arg2: memref<32x2048xf32, #tpu.memory_space<vmem>>, %arg3: memref<32x2048xf32, #tpu.memory_space<vmem>>, %arg4: memref<32x2048xf32, #tpu.memory_space<vmem>>, %arg5: memref<256x128xi32, #tpu.memory_space<vmem>>, %arg6: memref<256x128xi32, #tpu.memory_space<vmem>>, %arg7: memref<256x128xi32, #tpu.memory_space<vmem>>, %arg8: memref<256x128xi32, #tpu.memory_space<vmem>>) attributes {dimension_semantics = [#tpu.dimension_semantics<arbitrary>], iteration_bounds = array<i64: 489>, scalar_prefetch = 0 : i64, scratch_operands = 0 : i64, tpu.core_type = #tpu.core_type<tc>, window_params = [{transform_indices = @transform_0, window_bounds = array<i64: 32, 2048>}, {transform_indices = @transform_1, window_bounds = array<i64: 32, 2048>}, {transform_indices = @transform_2, window_bounds = array<i64: 32, 2048>}, {transform_indices = @transform_3, window_bounds = array<i64: 32, 2048>}, {transform_indices = @transform_4, window_bounds = array<i64: 256, 128>}, {transform_indices = @transform_5, window_bounds = array<i64: 256, 128>}, {transform_indices = @transform_6, window_bounds = array<i64: 256, 128>}, {transform_indices = @transform_7, window_bounds = array<i64: 256, 128>}]} {
    %iota3A = tpu.iota {dimensions = array<i32: 0>} : vector<128x32xi32>
    %iota3A_0 = tpu.iota {dimensions = array<i32: 1>} : vector<128x32xi32>
    %add3A = arith.constant 0 : i32
    %add3A_1 = vector.broadcast %add3A : i32 to vector<128x32xi32>
    %add3A_2 = arith.addi %iota3A_0, %add3A_1 : vector<128x32xi32>
    %eq3A = arith.cmpi eq, %iota3A, %add3A_2 : vector<128x32xi32>
    %convert_element_type3A = arith.extui %eq3A : vector<128x32xi1> to vector<128x32xi32>
    %convert_element_type3A_3 = arith.sitofp %convert_element_type3A : vector<128x32xi32> to vector<128x32xf32>
    %convert_element_type3A_4 = arith.truncf %convert_element_type3A_3 : vector<128x32xf32> to vector<128x32xbf16>
    %add3A_5 = arith.constant 32 : i32
    %add3A_6 = vector.broadcast %add3A_5 : i32 to vector<128x32xi32>
    %add3A_7 = arith.addi %iota3A_0, %add3A_6 : vector<128x32xi32>
    %eq3A_8 = arith.cmpi eq, %iota3A, %add3A_7 : vector<128x32xi32>
    %convert_element_type3A_9 = arith.extui %eq3A_8 : vector<128x32xi1> to vector<128x32xi32>
    %convert_element_type3A_10 = arith.sitofp %convert_element_type3A_9 : vector<128x32xi32> to vector<128x32xf32>
    %convert_element_type3A_11 = arith.truncf %convert_element_type3A_10 : vector<128x32xf32> to vector<128x32xbf16>
    %add3A_12 = arith.constant 64 : i32
    %add3A_13 = vector.broadcast %add3A_12 : i32 to vector<128x32xi32>
    %add3A_14 = arith.addi %iota3A_0, %add3A_13 : vector<128x32xi32>
    %eq3A_15 = arith.cmpi eq, %iota3A, %add3A_14 : vector<128x32xi32>
    %convert_element_type3A_16 = arith.extui %eq3A_15 : vector<128x32xi1> to vector<128x32xi32>
    %convert_element_type3A_17 = arith.sitofp %convert_element_type3A_16 : vector<128x32xi32> to vector<128x32xf32>
    %convert_element_type3A_18 = arith.truncf %convert_element_type3A_17 : vector<128x32xf32> to vector<128x32xbf16>
    %add3A_19 = arith.constant 96 : i32
    %add3A_20 = vector.broadcast %add3A_19 : i32 to vector<128x32xi32>
    %add3A_21 = arith.addi %iota3A_0, %add3A_20 : vector<128x32xi32>
    %eq3A_22 = arith.cmpi eq, %iota3A, %add3A_21 : vector<128x32xi32>
    %convert_element_type3A_23 = arith.extui %eq3A_22 : vector<128x32xi1> to vector<128x32xi32>
    %convert_element_type3A_24 = arith.sitofp %convert_element_type3A_23 : vector<128x32xi32> to vector<128x32xf32>
    %convert_element_type3A_25 = arith.truncf %convert_element_type3A_24 : vector<128x32xf32> to vector<128x32xbf16>
    %mul3A = arith.constant 2048 : i32
    %mul3A_26 = arith.muli %arg0, %mul3A : i32
    %sub3A = arith.constant 1000000 : i32
    %sub3A_27 = arith.subi %sub3A, %mul3A_26 : i32
    %iota3A_28 = tpu.iota {dimensions = array<i32: 1>} : vector<32x2048xi32>
    %lt3A = vector.broadcast %sub3A_27 : i32 to vector<32x2048xi32>
    %lt3A_29 = arith.cmpi slt, %iota3A_28, %lt3A : vector<32x2048xi32>
    %get3A = arith.constant 0 : index
    %get3A_30 = arith.constant 0 : index
    %get3A_31 = vector.load %arg1[%get3A, %get3A_30] : memref<32x2048xf32, #tpu.memory_space<vmem>>, vector<32x2048xf32>
    %jit3A = arith.constant 0.000000e+00 : f32
    %broadcast_in_dim3A = vector.broadcast %jit3A : f32 to vector<32x2048xf32>
    %select_n3A = arith.select %lt3A_29, %get3A_31, %broadcast_in_dim3A : vector<32x2048xi1>, vector<32x2048xf32>
    %convert_element_type3A_32 = arith.truncf %select_n3A : vector<32x2048xf32> to vector<32x2048xbf16>
    %slice3A = vector.extract_strided_slice %convert_element_type3A_32 {offsets = [0, 0], sizes = [32, 512], strides = [1, 1]} : vector<32x2048xbf16> to vector<32x512xbf16>
    %dot_general3A = arith.constant dense<0.000000e+00> : vector<128x512xf32>
    %dot_general3A_33 = tpu.matmul %convert_element_type3A_4, %slice3A, %dot_general3A {dimension_numbers = #tpu.dot_dimension_numbers<[1], [0], [0], [1], [0, 0, 1, 1], [], []>, transpose_lhs_hint = false} : vector<128x32xbf16>, vector<32x512xbf16>, vector<128x512xf32> -> vector<128x512xf32>
    %slice3A_34 = vector.extract_strided_slice %convert_element_type3A_32 {offsets = [0, 512], sizes = [32, 512], strides = [1, 1]} : vector<32x2048xbf16> to vector<32x512xbf16>
    %dot_general3A_35 = arith.constant dense<0.000000e+00> : vector<128x512xf32>
    %dot_general3A_36 = tpu.matmul %convert_element_type3A_11, %slice3A_34, %dot_general3A_35 {dimension_numbers = #tpu.dot_dimension_numbers<[1], [0], [0], [1], [0, 0, 1, 1], [], []>, transpose_lhs_hint = false} : vector<128x32xbf16>, vector<32x512xbf16>, vector<128x512xf32> -> vector<128x512xf32>
    %add3A_37 = arith.addf %dot_general3A_33, %dot_general3A_36 : vector<128x512xf32>
    %slice3A_38 = vector.extract_strided_slice %convert_element_type3A_32 {offsets = [0, 1024], sizes = [32, 512], strides = [1, 1]} : vector<32x2048xbf16> to vector<32x512xbf16>
    %dot_general3A_39 = arith.constant dense<0.000000e+00> : vector<128x512xf32>
    %dot_general3A_40 = tpu.matmul %convert_element_type3A_18, %slice3A_38, %dot_general3A_39 {dimension_numbers = #tpu.dot_dimension_numbers<[1], [0], [0], [1], [0, 0, 1, 1], [], []>, transpose_lhs_hint = false} : vector<128x32xbf16>, vector<32x512xbf16>, vector<128x512xf32> -> vector<128x512xf32>
    %add3A_41 = arith.addf %add3A_37, %dot_general3A_40 : vector<128x512xf32>
    %slice3A_42 = vector.extract_strided_slice %convert_element_type3A_32 {offsets = [0, 1536], sizes = [32, 512], strides = [1, 1]} : vector<32x2048xbf16> to vector<32x512xbf16>
    %dot_general3A_43 = arith.constant dense<0.000000e+00> : vector<128x512xf32>
    %dot_general3A_44 = tpu.matmul %convert_element_type3A_25, %slice3A_42, %dot_general3A_43 {dimension_numbers = #tpu.dot_dimension_numbers<[1], [0], [0], [1], [0, 0, 1, 1], [], []>, transpose_lhs_hint = false} : vector<128x32xbf16>, vector<32x512xbf16>, vector<128x512xf32> -> vector<128x512xf32>
    %add3A_45 = arith.addf %add3A_41, %dot_general3A_44 : vector<128x512xf32>
    %transpose3A = tpu.transpose %add3A_45, [1, 0] : vector<128x512xf32> -> vector<512x128xf32>
    %convert_element_type3A_46 = arith.truncf %transpose3A : vector<512x128xf32> to vector<512x128xbf16>
    %slice3A_47 = vector.extract_strided_slice %convert_element_type3A_46 {offsets = [0, 0], sizes = [256, 128], strides = [1, 1]} : vector<512x128xbf16> to vector<256x128xbf16>
    %bitcast_convert_type3A = tpu.bitcast %slice3A_47 : vector<256x128xbf16> -> vector<256x128xi16>
    %convert_element_type3A_48 = arith.extui %bitcast_convert_type3A : vector<256x128xi16> to vector<256x128xi32>
    %slice3A_49 = vector.extract_strided_slice %convert_element_type3A_46 {offsets = [256, 0], sizes = [256, 128], strides = [1, 1]} : vector<512x128xbf16> to vector<256x128xbf16>
    %bitcast_convert_type3A_50 = tpu.bitcast %slice3A_49 : vector<256x128xbf16> -> vector<256x128xi16>
    %convert_element_type3A_51 = arith.extui %bitcast_convert_type3A_50 : vector<256x128xi16> to vector<256x128xi32>
    %shift_left3A = arith.constant 16 : i32
    %shift_left3A_52 = vector.broadcast %shift_left3A : i32 to vector<256x128xi32>
    %shift_left3A_53 = arith.shli %convert_element_type3A_51, %shift_left3A_52 : vector<256x128xi32>
    %or3A = arith.ori %convert_element_type3A_48, %shift_left3A_53 : vector<256x128xi32>
    %bitcast_convert_type3A_54 = tpu.bitcast %or3A : vector<256x128xi32> -> vector<256x128xi32>
    %swap3A = arith.constant 0 : index
    %swap3A_55 = arith.constant 0 : index
    %swap3A_56 = vector.load %arg5[%swap3A, %swap3A_55] : memref<256x128xi32, #tpu.memory_space<vmem>>, vector<256x128xi32>
    tpu.vector_store %arg5[%swap3A, %swap3A_55], %bitcast_convert_type3A_54 {strides = array<i32>} : memref<256x128xi32, #tpu.memory_space<vmem>>, vector<256x128xi32>,
    %get3A_57 = arith.constant 0 : index
    %get3A_58 = arith.constant 0 : index
    %get3A_59 = vector.load %arg2[%get3A_57, %get3A_58] : memref<32x2048xf32, #tpu.memory_space<vmem>>, vector<32x2048xf32>
    %jit3A_60 = arith.constant 0.000000e+00 : f32
    %broadcast_in_dim3A_61 = vector.broadcast %jit3A_60 : f32 to vector<32x2048xf32>
    %select_n3A_62 = arith.select %lt3A_29, %get3A_59, %broadcast_in_dim3A_61 : vector<32x2048xi1>, vector<32x2048xf32>
    %convert_element_type3A_63 = arith.truncf %select_n3A_62 : vector<32x2048xf32> to vector<32x2048xbf16>
    %slice3A_64 = vector.extract_strided_slice %convert_element_type3A_63 {offsets = [0, 0], sizes = [32, 512], strides = [1, 1]} : vector<32x2048xbf16> to vector<32x512xbf16>
    %dot_general3A_65 = arith.constant dense<0.000000e+00> : vector<128x512xf32>
    %dot_general3A_66 = tpu.matmul %convert_element_type3A_4, %slice3A_64, %dot_general3A_65 {dimension_numbers = #tpu.dot_dimension_numbers<[1], [0], [0], [1], [0, 0, 1, 1], [], []>, transpose_lhs_hint = false} : vector<128x32xbf16>, vector<32x512xbf16>, vector<128x512xf32> -> vector<128x512xf32>
    %slice3A_67 = vector.extract_strided_slice %convert_element_type3A_63 {offsets = [0, 512], sizes = [32, 512], strides = [1, 1]} : vector<32x2048xbf16> to vector<32x512xbf16>
    %dot_general3A_68 = arith.constant dense<0.000000e+00> : vector<128x512xf32>
    %dot_general3A_69 = tpu.matmul %convert_element_type3A_11, %slice3A_67, %dot_general3A_68 {dimension_numbers = #tpu.dot_dimension_numbers<[1], [0], [0], [1], [0, 0, 1, 1], [], []>, transpose_lhs_hint = false} : vector<128x32xbf16>, vector<32x512xbf16>, vector<128x512xf32> -> vector<128x512xf32>
    %add3A_70 = arith.addf %dot_general3A_66, %dot_general3A_69 : vector<128x512xf32>
    %slice3A_71 = vector.extract_strided_slice %convert_element_type3A_63 {offsets = [0, 1024], sizes = [32, 512], strides = [1, 1]} : vector<32x2048xbf16> to vector<32x512xbf16>
    %dot_general3A_72 = arith.constant dense<0.000000e+00> : vector<128x512xf32>
    %dot_general3A_73 = tpu.matmul %convert_element_type3A_18, %slice3A_71, %dot_general3A_72 {dimension_numbers = #tpu.dot_dimension_numbers<[1], [0], [0], [1], [0, 0, 1, 1], [], []>, transpose_lhs_hint = false} : vector<128x32xbf16>, vector<32x512xbf16>, vector<128x512xf32> -> vector<128x512xf32>
    %add3A_74 = arith.addf %add3A_70, %dot_general3A_73 : vector<128x512xf32>
    %slice3A_75 = vector.extract_strided_slice %convert_element_type3A_63 {offsets = [0, 1536], sizes = [32, 512], strides = [1, 1]} : vector<32x2048xbf16> to vector<32x512xbf16>
    %dot_general3A_76 = arith.constant dense<0.000000e+00> : vector<128x512xf32>
    %dot_general3A_77 = tpu.matmul %convert_element_type3A_25, %slice3A_75, %dot_general3A_76 {dimension_numbers = #tpu.dot_dimension_numbers<[1], [0], [0], [1], [0, 0, 1, 1], [], []>, transpose_lhs_hint = false} : vector<128x32xbf16>, vector<32x512xbf16>, vector<128x512xf32> -> vector<128x512xf32>
    %add3A_78 = arith.addf %add3A_74, %dot_general3A_77 : vector<128x512xf32>
    %transpose3A_79 = tpu.transpose %add3A_78, [1, 0] : vector<128x512xf32> -> vector<512x128xf32>
    %convert_element_type3A_80 = arith.truncf %transpose3A_79 : vector<512x128xf32> to vector<512x128xbf16>
    %slice3A_81 = vector.extract_strided_slice %convert_element_type3A_80 {offsets = [0, 0], sizes = [256, 128], strides = [1, 1]} : vector<512x128xbf16> to vector<256x128xbf16>
    %bitcast_convert_type3A_82 = tpu.bitcast %slice3A_81 : vector<256x128xbf16> -> vector<256x128xi16>
    %convert_element_type3A_83 = arith.extui %bitcast_convert_type3A_82 : vector<256x128xi16> to vector<256x128xi32>
    %slice3A_84 = vector.extract_strided_slice %convert_element_type3A_80 {offsets = [256, 0], sizes = [256, 128], strides = [1, 1]} : vector<512x128xbf16> to vector<256x128xbf16>
    %bitcast_convert_type3A_85 = tpu.bitcast %slice3A_84 : vector<256x128xbf16> -> vector<256x128xi16>
    %convert_element_type3A_86 = arith.extui %bitcast_convert_type3A_85 : vector<256x128xi16> to vector<256x128xi32>
    %shift_left3A_87 = arith.constant 16 : i32
    %shift_left3A_88 = vector.broadcast %shift_left3A_87 : i32 to vector<256x128xi32>
    %shift_left3A_89 = arith.shli %convert_element_type3A_86, %shift_left3A_88 : vector<256x128xi32>
    %or3A_90 = arith.ori %convert_element_type3A_83, %shift_left3A_89 : vector<256x128xi32>
    %bitcast_convert_type3A_91 = tpu.bitcast %or3A_90 : vector<256x128xi32> -> vector<256x128xi32>
    %swap3A_92 = arith.constant 0 : index
    %swap3A_93 = arith.constant 0 : index
    %swap3A_94 = vector.load %arg6[%swap3A_92, %swap3A_93] : memref<256x128xi32, #tpu.memory_space<vmem>>, vector<256x128xi32>
    tpu.vector_store %arg6[%swap3A_92, %swap3A_93], %bitcast_convert_type3A_91 {strides = array<i32>} : memref<256x128xi32, #tpu.memory_space<vmem>>, vector<256x128xi32>,
    %get3A_95 = arith.constant 0 : index
    %get3A_96 = arith.constant 0 : index
    %get3A_97 = vector.load %arg3[%get3A_95, %get3A_96] : memref<32x2048xf32, #tpu.memory_space<vmem>>, vector<32x2048xf32>
    %jit3A_98 = arith.constant 0.000000e+00 : f32
    %broadcast_in_dim3A_99 = vector.broadcast %jit3A_98 : f32 to vector<32x2048xf32>
    %select_n3A_100 = arith.select %lt3A_29, %get3A_97, %broadcast_in_dim3A_99 : vector<32x2048xi1>, vector<32x2048xf32>
    %convert_element_type3A_101 = arith.truncf %select_n3A_100 : vector<32x2048xf32> to vector<32x2048xbf16>
    %slice3A_102 = vector.extract_strided_slice %convert_element_type3A_101 {offsets = [0, 0], sizes = [32, 512], strides = [1, 1]} : vector<32x2048xbf16> to vector<32x512xbf16>
    %dot_general3A_103 = arith.constant dense<0.000000e+00> : vector<128x512xf32>
    %dot_general3A_104 = tpu.matmul %convert_element_type3A_4, %slice3A_102, %dot_general3A_103 {dimension_numbers = #tpu.dot_dimension_numbers<[1], [0], [0], [1], [0, 0, 1, 1], [], []>, transpose_lhs_hint = false} : vector<128x32xbf16>, vector<32x512xbf16>, vector<128x512xf32> -> vector<128x512xf32>
    %slice3A_105 = vector.extract_strided_slice %convert_element_type3A_101 {offsets = [0, 512], sizes = [32, 512], strides = [1, 1]} : vector<32x2048xbf16> to vector<32x512xbf16>
    %dot_general3A_106 = arith.constant dense<0.000000e+00> : vector<128x512xf32>
    %dot_general3A_107 = tpu.matmul %convert_element_type3A_11, %slice3A_105, %dot_general3A_106 {dimension_numbers = #tpu.dot_dimension_numbers<[1], [0], [0], [1], [0, 0, 1, 1], [], []>, transpose_lhs_hint = false} : vector<128x32xbf16>, vector<32x512xbf16>, vector<128x512xf32> -> vector<128x512xf32>
    %add3A_108 = arith.addf %dot_general3A_104, %dot_general3A_107 : vector<128x512xf32>
    %slice3A_109 = vector.extract_strided_slice %convert_element_type3A_101 {offsets = [0, 1024], sizes = [32, 512], strides = [1, 1]} : vector<32x2048xbf16> to vector<32x512xbf16>
    %dot_general3A_110 = arith.constant dense<0.000000e+00> : vector<128x512xf32>
    %dot_general3A_111 = tpu.matmul %convert_element_type3A_18, %slice3A_109, %dot_general3A_110 {dimension_numbers = #tpu.dot_dimension_numbers<[1], [0], [0], [1], [0, 0, 1, 1], [], []>, transpose_lhs_hint = false} : vector<128x32xbf16>, vector<32x512xbf16>, vector<128x512xf32> -> vector<128x512xf32>
    %add3A_112 = arith.addf %add3A_108, %dot_general3A_111 : vector<128x512xf32>
    %slice3A_113 = vector.extract_strided_slice %convert_element_type3A_101 {offsets = [0, 1536], sizes = [32, 512], strides = [1, 1]} : vector<32x2048xbf16> to vector<32x512xbf16>
    %dot_general3A_114 = arith.constant dense<0.000000e+00> : vector<128x512xf32>
    %dot_general3A_115 = tpu.matmul %convert_element_type3A_25, %slice3A_113, %dot_general3A_114 {dimension_numbers = #tpu.dot_dimension_numbers<[1], [0], [0], [1], [0, 0, 1, 1], [], []>, transpose_lhs_hint = false} : vector<128x32xbf16>, vector<32x512xbf16>, vector<128x512xf32> -> vector<128x512xf32>
    %add3A_116 = arith.addf %add3A_112, %dot_general3A_115 : vector<128x512xf32>
    %transpose3A_117 = tpu.transpose %add3A_116, [1, 0] : vector<128x512xf32> -> vector<512x128xf32>
    %convert_element_type3A_118 = arith.truncf %transpose3A_117 : vector<512x128xf32> to vector<512x128xbf16>
    %slice3A_119 = vector.extract_strided_slice %convert_element_type3A_118 {offsets = [0, 0], sizes = [256, 128], strides = [1, 1]} : vector<512x128xbf16> to vector<256x128xbf16>
    %bitcast_convert_type3A_120 = tpu.bitcast %slice3A_119 : vector<256x128xbf16> -> vector<256x128xi16>
    %convert_element_type3A_121 = arith.extui %bitcast_convert_type3A_120 : vector<256x128xi16> to vector<256x128xi32>
    %slice3A_122 = vector.extract_strided_slice %convert_element_type3A_118 {offsets = [256, 0], sizes = [256, 128], strides = [1, 1]} : vector<512x128xbf16> to vector<256x128xbf16>
    %bitcast_convert_type3A_123 = tpu.bitcast %slice3A_122 : vector<256x128xbf16> -> vector<256x128xi16>
    %convert_element_type3A_124 = arith.extui %bitcast_convert_type3A_123 : vector<256x128xi16> to vector<256x128xi32>
    %shift_left3A_125 = arith.constant 16 : i32
    %shift_left3A_126 = vector.broadcast %shift_left3A_125 : i32 to vector<256x128xi32>
    %shift_left3A_127 = arith.shli %convert_element_type3A_124, %shift_left3A_126 : vector<256x128xi32>
    %or3A_128 = arith.ori %convert_element_type3A_121, %shift_left3A_127 : vector<256x128xi32>
    %bitcast_convert_type3A_129 = tpu.bitcast %or3A_128 : vector<256x128xi32> -> vector<256x128xi32>
    %swap3A_130 = arith.constant 0 : index
    %swap3A_131 = arith.constant 0 : index
    %swap3A_132 = vector.load %arg7[%swap3A_130, %swap3A_131] : memref<256x128xi32, #tpu.memory_space<vmem>>, vector<256x128xi32>
    tpu.vector_store %arg7[%swap3A_130, %swap3A_131], %bitcast_convert_type3A_129 {strides = array<i32>} : memref<256x128xi32, #tpu.memory_space<vmem>>, vector<256x128xi32>,
    %get3A_133 = arith.constant 0 : index
    %get3A_134 = arith.constant 0 : index
    %get3A_135 = vector.load %arg4[%get3A_133, %get3A_134] : memref<32x2048xf32, #tpu.memory_space<vmem>>, vector<32x2048xf32>
    %jit3A_136 = arith.constant 0.000000e+00 : f32
    %broadcast_in_dim3A_137 = vector.broadcast %jit3A_136 : f32 to vector<32x2048xf32>
    %select_n3A_138 = arith.select %lt3A_29, %get3A_135, %broadcast_in_dim3A_137 : vector<32x2048xi1>, vector<32x2048xf32>
    %convert_element_type3A_139 = arith.truncf %select_n3A_138 : vector<32x2048xf32> to vector<32x2048xbf16>
    %slice3A_140 = vector.extract_strided_slice %convert_element_type3A_139 {offsets = [0, 0], sizes = [32, 512], strides = [1, 1]} : vector<32x2048xbf16> to vector<32x512xbf16>
    %dot_general3A_141 = arith.constant dense<0.000000e+00> : vector<128x512xf32>
    %dot_general3A_142 = tpu.matmul %convert_element_type3A_4, %slice3A_140, %dot_general3A_141 {dimension_numbers = #tpu.dot_dimension_numbers<[1], [0], [0], [1], [0, 0, 1, 1], [], []>, transpose_lhs_hint = false} : vector<128x32xbf16>, vector<32x512xbf16>, vector<128x512xf32> -> vector<128x512xf32>
    %slice3A_143 = vector.extract_strided_slice %convert_element_type3A_139 {offsets = [0, 512], sizes = [32, 512], strides = [1, 1]} : vector<32x2048xbf16> to vector<32x512xbf16>
    %dot_general3A_144 = arith.constant dense<0.000000e+00> : vector<128x512xf32>
    %dot_general3A_145 = tpu.matmul %convert_element_type3A_11, %slice3A_143, %dot_general3A_144 {dimension_numbers = #tpu.dot_dimension_numbers<[1], [0], [0], [1], [0, 0, 1, 1], [], []>, transpose_lhs_hint = false} : vector<128x32xbf16>, vector<32x512xbf16>, vector<128x512xf32> -> vector<128x512xf32>
    %add3A_146 = arith.addf %dot_general3A_142, %dot_general3A_145 : vector<128x512xf32>
    %slice3A_147 = vector.extract_strided_slice %convert_element_type3A_139 {offsets = [0, 1024], sizes = [32, 512], strides = [1, 1]} : vector<32x2048xbf16> to vector<32x512xbf16>
    %dot_general3A_148 = arith.constant dense<0.000000e+00> : vector<128x512xf32>
    %dot_general3A_149 = tpu.matmul %convert_element_type3A_18, %slice3A_147, %dot_general3A_148 {dimension_numbers = #tpu.dot_dimension_numbers<[1], [0], [0], [1], [0, 0, 1, 1], [], []>, transpose_lhs_hint = false} : vector<128x32xbf16>, vector<32x512xbf16>, vector<128x512xf32> -> vector<128x512xf32>
    %add3A_150 = arith.addf %add3A_146, %dot_general3A_149 : vector<128x512xf32>
    %slice3A_151 = vector.extract_strided_slice %convert_element_type3A_139 {offsets = [0, 1536], sizes = [32, 512], strides = [1, 1]} : vector<32x2048xbf16> to vector<32x512xbf16>
    %dot_general3A_152 = arith.constant dense<0.000000e+00> : vector<128x512xf32>
    %dot_general3A_153 = tpu.matmul %convert_element_type3A_25, %slice3A_151, %dot_general3A_152 {dimension_numbers = #tpu.dot_dimension_numbers<[1], [0], [0], [1], [0, 0, 1, 1], [], []>, transpose_lhs_hint = false} : vector<128x32xbf16>, vector<32x512xbf16>, vector<128x512xf32> -> vector<128x512xf32>
    %add3A_154 = arith.addf %add3A_150, %dot_general3A_153 : vector<128x512xf32>
    %transpose3A_155 = tpu.transpose %add3A_154, [1, 0] : vector<128x512xf32> -> vector<512x128xf32>
    %convert_element_type3A_156 = arith.truncf %transpose3A_155 : vector<512x128xf32> to vector<512x128xbf16>
    %slice3A_157 = vector.extract_strided_slice %convert_element_type3A_156 {offsets = [0, 0], sizes = [256, 128], strides = [1, 1]} : vector<512x128xbf16> to vector<256x128xbf16>
    %bitcast_convert_type3A_158 = tpu.bitcast %slice3A_157 : vector<256x128xbf16> -> vector<256x128xi16>
    %convert_element_type3A_159 = arith.extui %bitcast_convert_type3A_158 : vector<256x128xi16> to vector<256x128xi32>
    %slice3A_160 = vector.extract_strided_slice %convert_element_type3A_156 {offsets = [256, 0], sizes = [256, 128], strides = [1, 1]} : vector<512x128xbf16> to vector<256x128xbf16>
    %bitcast_convert_type3A_161 = tpu.bitcast %slice3A_160 : vector<256x128xbf16> -> vector<256x128xi16>
    %convert_element_type3A_162 = arith.extui %bitcast_convert_type3A_161 : vector<256x128xi16> to vector<256x128xi32>
    %shift_left3A_163 = arith.constant 16 : i32
    %shift_left3A_164 = vector.broadcast %shift_left3A_163 : i32 to vector<256x128xi32>
    %shift_left3A_165 = arith.shli %convert_element_type3A_162, %shift_left3A_164 : vector<256x128xi32>
    %or3A_166 = arith.ori %convert_element_type3A_159, %shift_left3A_165 : vector<256x128xi32>
    %bitcast_convert_type3A_167 = tpu.bitcast %or3A_166 : vector<256x128xi32> -> vector<256x128xi32>
    %swap3A_168 = arith.constant 0 : index
    %swap3A_169 = arith.constant 0 : index
    %swap3A_170 = vector.load %arg8[%swap3A_168, %swap3A_169] : memref<256x128xi32, #tpu.memory_space<vmem>>, vector<256x128xi32>
    tpu.vector_store %arg8[%swap3A_168, %swap3A_169], %bitcast_convert_type3A_167 {strides = array<i32>} : memref<256x128xi32, #tpu.memory_space<vmem>>, vector<256x128xi32>,
    return
  }
  func.func @transform_0(%arg0: i32) -> (i32, i32) {
    %c0_i32 = arith.constant 0 : i32
    %c0_i32_0 = arith.constant 0 : i32
    return %c0_i32, %arg0 : i32, i32
  }
  func.func @transform_1(%arg0: i32) -> (i32, i32) {
    %c0_i32 = arith.constant 0 : i32
    %c0_i32_0 = arith.constant 0 : i32
    return %c0_i32, %arg0 : i32, i32
  }
  func.func @transform_2(%arg0: i32) -> (i32, i32) {
    %c0_i32 = arith.constant 0 : i32
    %c0_i32_0 = arith.constant 0 : i32
    return %c0_i32, %arg0 : i32, i32
  }
  func.func @transform_3(%arg0: i32) -> (i32, i32) {
    %c0_i32 = arith.constant 0 : i32
    %c0_i32_0 = arith.constant 0 : i32
    return %c0_i32, %arg0 : i32, i32
  }
  func.func @transform_4(%arg0: i32) -> (i32, i32) {
    %c0_i32 = arith.constant 0 : i32
    %c0_i32_0 = arith.constant 0 : i32
    return %arg0, %c0_i32 : i32, i32
  }
  func.func @transform_5(%arg0: i32) -> (i32, i32) {
    %c0_i32 = arith.constant 0 : i32
    %c0_i32_0 = arith.constant 0 : i32
    return %arg0, %c0_i32 : i32, i32
  }
  func.func @transform_6(%arg0: i32) -> (i32, i32) {
    %c0_i32 = arith.constant 0 : i32
    %c0_i32_0 = arith.constant 0 : i32
    return %arg0, %c0_i32 : i32, i32
  }
  func.func @transform_7(%arg0: i32) -> (i32, i32) {
    %c0_i32 = arith.constant 0 : i32
    %c0_i32_0 = arith.constant 0 : i32
    return %arg0, %c0_i32 : i32, i32
  }
}

</mosaic_0001>

<sc_bundles>
// kernel: kernel.5.cloned.1.call-start
scs
__scs_entry_jumppad:
0x0: {  	(pc) =	sbr.rel $0x88, $3  }
0x1: {  	(tag) =	ssettag $0x0;
	lr =	simm.s32 $0x1  }
0x2: {  	[smem:$0x3F93] =	sst lr;
	_ =	strace $0xD0000000  }
0x3: {  	_ = 	snop  }
0x4: {  	_ = 	snop  }
0x5: {  	_ = 	snop  }
0x6: {  	_ = 	snop  }
0x7: {  	_ = 	snop  }
__scs_overlays_trampoline_lowered:
0x8: {  	[smem:$0x3FA2] =	sst s0  }
0x9: {  	[smem:$0x3FA3] =	sst s1  }
0xa: {  	[smem:$0x3FA4] =	sst s2  }
0xb: {  	[smem:$0x3FA5] =	sst s3  }
0xc: {  	[smem:$0x3FA6] =	sst s4  }
0xd: {  	[smem:$0x3FA7] =	sst s5  }
0xe: {  	[smem:$0x3FA8] =	sst s6  }
0xf: {  	[smem:$0x3FA9] =	sst s7  }
0x10: {  	[smem:$0x3FAA] =	sst s8  }
0x11: {  	[smem:$0x3FAB] =	sst s9;
	s0 =	simm.s32 @!p0 $0x0  }
0x12: {  	s1 =	sld [smem:$0x3F91];
	s0 =	simm.s32 @p0 $0x1  }
0x13: {  	[smem:$0x3FAC] =	sst s0;
	s0 =	simm.s32 @!p1 $0x0  }
0x14: {  	s2 =	sld [smem:$0x3F90];
	s0 =	simm.s32 @p1 $0x1  }
0x15: {  	[smem:$0x3FAD] =	sst s0;
	s0 =	simm.s32 @!p2 $0x0  }
0x16: {  	s3 =	sld [smem:$0x3FDB];
	s0 =	simm.s32 @p2 $0x1  }
0x17: {  	s4 =	simm.s32 $0x1BF5;
	[smem:$0x3FAF] =	sst s0  }
0x18: {  	s0 =	sld [smem:$0x3F92];
	_ =	swait.ge [sflag:s4], $0x0  }
0x19: {  	s7 =	sld [smem:$0x3F93]  }
0x1a: {  	s8 =	sadd.s32 $0xFFFFE003, lr  }
0x1b: {  	s9 =	sadd.s32 $0xFFFFFEF7, lr;
	s5 =	simm.s32 $0xFFFFFFFF;
	p2 =	slt.u32 s8, $0xFFFFF086  }
0x1c: {  	p1 =	slt.u32 s9, $0xF7A;
	s5 =	simm.s32 @!p2 $0x0  }
0x1d: {  	s5 =	simm.s32 @p1 $0x1;
	p0 =	seq.s32 s7, s2  }
0x1e: {  	s7 =	smul.u32 @!p0 $0xF7A, s2;
	p2 =	seq.s32 @!p0 s5, $0x0  }
0x1f: {  	s9 =	smul.u32 $0xF7A, s1;
	s8 =	simm.s32 @!p0 $0x1BF5;
	p2 =	por !p2, p0  }
0x20: {  	[sflag:s8] =	ssyncset.s32 @!p0 $0xFFFFF086;
	s6 =	sadd.s32 @!p0 s3, s7;
	s7 =	simm.s32 @!p0 $0x108  }
0x21: {  	s3 =	sadd.s32 s3, s9;
	s6 =	sadd.s32 @!p0 $0x88, s6;
	s7 =	simm.s32 @p2 $0x1082  }
0x22: {  	[simem:s7], [sflag:s8] =	dma.local @!p0 [hbm:s6], $0xF7A  }
0x23: {  	s9 =	sor.u32 $0xD0000000, s2;
	s6 =	simm.s32 $0x108;
	_ =	swait.ge @!p0 [sflag:s8], $0x0  }
0x24: {  	s3 =	sadd.s32 $0x88, s3;
	s6 =	simm.s32 @!p1 $0x1082;
	[sflag:s4] =	ssyncset.s32 $0xFFFFF086  }
0x25: {  	[simem:s6], [sflag:s4] =	dma.local [hbm:s3], $0xF7A  }
0x26: {  	[smem:$0x3F93] =	sst s1;
	(tag) =	ssettag s2;
	_ =	strace s9  }
0x27: {  	s1 =	sld [smem:$0x3FA3]  }
0x28: {  	s2 =	sld [smem:$0x3FA4]  }
0x29: {  	s4 =	sld [smem:$0x3FA6]  }
0x2a: {  	p0 =	seq.s32 s5, $0x0;
	s5 =	sld [smem:$0x3FA7]  }
0x2b: {  	s6 =	sld [smem:$0x3FA8]  }
0x2c: {  	s7 =	sld [smem:$0x3FA9]  }
0x2d: {  	s3 =	simm.s32 $0x108;
	s8 =	sld [smem:$0x3FAA]  }
0x2e: {  	s3 =	simm.s32 @!p0 $0x1082;
	s9 =	sld [smem:$0x3FAB]  }
0x2f: {  	lr =	sadd.s32 s0, s3;
	s0 =	sld [smem:$0x3FA2]  }
0x30: {  	s3 =	sld [smem:$0x3FA5]  }
0x31: {  	[smem:$0x3FAE] =	sst s10  }
0x32: {  	s10 =	sld [smem:$0x3FAC];
	_ =	sdelay $0x3  }
0x33: {  	p0 =	seq.s32 s10, $0x1;
	s10 =	sld [smem:$0x3FAE];
	_ =	sdelay $0x3  }
0x34: {  	[smem:$0x3FAE] =	sst s10  }
0x35: {  	s10 =	sld [smem:$0x3FAD];
	_ =	sdelay $0x3  }
0x36: {  	p1 =	seq.s32 s10, $0x1;
	s10 =	sld [smem:$0x3FAE];
	_ =	sdelay $0x3  }
0x37: {  	[smem:$0x3FAE] =	sst s10  }
0x38: {  	s10 =	sld [smem:$0x3FAF]  }
0x39: {  	_ = 	snop;
	(pc) =	sbr.ind lr, $3  }
0x3a: {  	_ = 	snop  }
0x3b: {  	_ = 	snop  }
0x3c: {  	p2 =	seq.s32 s10, $0x1;
	s10 =	sld [smem:$0x3FAE]  }
0x3d: {  	_ =	shalt  }
0x3e: {  	_ =	shalt  }
0x3f: {  	_ =	shalt  }
0x40: {  	_ =	shalt  }
0x41: {  	_ =	shalt  }
0x42: {  	_ =	shalt  }
0x43: {  	_ =	shalt  }
0x44: {  	_ =	shalt  }
0x45: {  	_ =	shalt  }
0x46: {  	_ =	shalt  }
0x47: {  	_ =	shalt  }
0x48: {  	_ =	shalt  }
0x49: {  	_ =	shalt  }
0x4a: {  	_ =	shalt  }
0x4b: {  	_ =	shalt  }
0x4c: {  	_ =	shalt  }
0x4d: {  	_ =	shalt  }
0x4e: {  	_ =	shalt  }
0x4f: {  	_ =	shalt  }
0x50: {  	_ =	shalt  }
0x51: {  	_ =	shalt  }
0x52: {  	_ =	shalt  }
0x53: {  	_ =	shalt  }
0x54: {  	_ =	shalt  }
0x55: {  	_ =	shalt  }
0x56: {  	_ =	shalt  }
0x57: {  	_ =	shalt  }
0x58: {  	_ =	shalt  }
0x59: {  	_ =	shalt  }
0x5a: {  	_ =	shalt  }
0x5b: {  	_ =	shalt  }
0x5c: {  	_ =	shalt  }
0x5d: {  	_ =	shalt  }
0x5e: {  	_ =	shalt  }
0x5f: {  	_ =	shalt  }
0x60: {  	_ =	shalt  }
0x61: {  	_ =	shalt  }
0x62: {  	_ =	shalt  }
0x63: {  	_ =	shalt  }
0x64: {  	_ =	shalt  }
0x65: {  	_ =	shalt  }
0x66: {  	_ =	shalt  }
0x67: {  	_ =	shalt  }
0x68: {  	_ =	shalt  }
0x69: {  	_ =	shalt  }
0x6a: {  	_ =	shalt  }
0x6b: {  	_ =	shalt  }
0x6c: {  	_ =	shalt  }
0x6d: {  	_ =	shalt  }
0x6e: {  	_ =	shalt  }
0x6f: {  	_ =	shalt  }
0x70: {  	_ =	shalt  }
0x71: {  	_ =	shalt  }
0x72: {  	_ =	shalt  }
0x73: {  	_ =	shalt  }
0x74: {  	_ =	shalt  }
0x75: {  	_ =	shalt  }
0x76: {  	_ =	shalt  }
0x77: {  	_ =	shalt  }
0x78: {  	_ =	shalt  }
0x79: {  	_ =	shalt  }
0x7a: {  	_ =	shalt  }
0x7b: {  	_ =	shalt  }
0x7c: {  	_ =	shalt  }
0x7d: {  	_ =	shalt  }
0x7e: {  	_ =	shalt  }
0x7f: {  	_ =	shalt  }
0x80: {  	_ =	shalt  }
0x81: {  	_ =	shalt  }
0x82: {  	_ =	shalt  }
0x83: {  	_ =	shalt  }
0x84: {  	_ =	shalt  }
0x85: {  	_ =	shalt  }
0x86: {  	_ =	shalt  }
0x87: {  	_ =	shalt  }
.Lfunc_end0:
.L_simem_size_0:
called_computation_lowered:
.L_overlay_start_0:
0x88: {  	s2 =	sld [smem:$0x3FD9]  }
0x89: {  	s3 =	sld [smem:$0x3FFE];
	_ =	sdelay $0x1  }
0x8a: {  	s1 =	srdreg.scid  }
0x8b: {  	s0 =	sand.u32 $0x1, s1  }
0x8c: {  	s17 =	sshll.u32 s0, $0xA;
	s2 =	sadd.s32 s3, s2  }
0x8d: {  	s2 =	sadd.s32 s2, s17  }
0x8e: {  	[smem:$0x3FBA] =	sst s2  }
0x8f: {  	_ = 	snop  }
0x90: {  	s2 =	sld [smem:$0x3FC9]  }
0x91: {  	s18 =	sld [smem:$0x3FC8];
	(tm) =	ssettm $0x1  }
0x92: {  	s4 =	sld [smem:$0x3FFB];
	_ =	sdelay $0x3  }
0x93: {  	_ =	strace s4  }
0x94: {  	s4 =	sld [smem:$0x3FFC];
	_ =	sdelay $0x3  }
0x95: {  	_ =	strace s4  }
0x96: {  	s4 =	sld [smem:$0x3FFD];
	_ =	sdelay $0x3  }
0x97: {  	_ =	strace s4  }
0x98: {  	_ =	strace $0x8FFFFFFF  }
0x99: {  	s19 =	sld [smem:$0x3FDB];
	_ =	sdelay $0x1  }
0x9a: {  	s5 =	simm.s32 $_scs_section_size  }
0x9b: {  	s6 =	simm.s32 $_size__tile_overlayer_lowered;
	s7 =	simm.s32 $_tile_overlayer_lowered  }
0x9c: {  	s22 =	simm.s32 $0x1BFF;
	s21 =	sshll.u32 s7, $0x1;
	s4 =	sadd.s32 s5, s19  }
0x9d: {  	s8 =	simm.s32 $0x0;
	s20 =	sshll.u32 s6, $0x1;
	s6 =	sadd.s32 s21, s4  }
0x9e: {  	[timem:s8], [sflag:s22] =	dma.local [hbm:s6], s20  }
0x9f: {  	_ =	swait.ge [sflag:s22], s20  }
0xa0: {  	s5 =	ssub.s32 $0x0, s20;
	[sflag:s22] =	ssyncset.done $0x0  }
0xa1: {  	[sflag:s22] =	ssyncadd.s32 s5;
	_ =	sdelay $0x1  }
0xa2: {  	s23 =	simm.s32 $0x1B8B  }
0xa3: {  	_ =	swait.ge [sflag:s23], $0x1  }
0xa4: {  	[sflag:s23] =	ssyncset.done $0x0  }
0xa5: {  	s25 =	simm.s32 $0x1B8E;
	s24 =	sld [smem:$0x3FFE];
	[sflag:s23] =	ssyncadd.s32 $0xFFFFFFFF  }
0xa6: {  	s26 =	simm.s32 $execute0_lowered;
	[smem:$0x3FD2] =	sst s25  }
0xa7: {  	s6 =	sshll.u32 s26, $0x1;
	_ =	strace $0x80000046;
	[dreg:$0x1] =	wrdreg $0xFFFFFFFF  }
0xa8: {  	s28 =	simm.s32 $_size_execute0_lowered;
	s4 =	sadd.s32 s4, s6;
	[dreg:$0x0] =	wrdreg $0x0  }
0xa9: {  	s6 =	sshll.u32 s28, $0x1;
	[dreg:$0x2] =	wrdreg s4  }
0xaa: {  	[dreg:$0x3] =	wrdreg s6  }
0xab: {  	[dreg:$0x4] =	wrdreg $0xC0  }
0xac: {  	_ =	task [dreg:s8], $0x5FFFF  }
0xad: {  	[dreg:$0x1] =	wrdreg $0xFFFFFFFF  }
0xae: {  	[dreg:$0x0] =	wrdreg $0x60  }
0xaf: {  	[dreg:$0x2] =	wrdreg s2  }
0xb0: {  	[dreg:$0x3] =	wrdreg s18  }
0xb1: {  	[dreg:$0x4] =	wrdreg s24  }
0xb2: {  	[dreg:$0x5] =	wrdreg $0x9  }
0xb3: {  	_ =	task.clear_ibuf [dreg:s8], $0x6FFFF;
	_ =	strace $0x90000046  }
0xb4: {  	s29 =	simm.s32 $0x9;
	_ =	strace $0x80000048  }
0xb5: {  	_ =	swait.ge [sflag:s29], $0x1  }
0xb6: {  	[sflag:s29] =	ssyncadd.s32 $0xFFFFFFFF  }
0xb7: {  	_ =	strace $0x90000048  }
0xb8: {  	_ =	sfence  }
0xb9: {  	s30 =	sld [smem:$0x0];
	_ =	sdelay $0x2  }
0xba: {  	s31 =	sshll.u32 s1, $0xD;
	s1 =	sshrl.u32 s1, $0x2  }
0xbb: {  	s3 =	sand.u32 $0x4000, s31;
	s1 =	sadd.s32 s1, s30  }
0xbc: {  	s0 =	sor.u32 s3, s0;
	s1 =	sshll.u32 s1, $0x11  }
0xbd: {  	s0 =	sor.u32 s1, s0  }
0xbe: {  	s0 =	sadd.s32 $0x8F2B, s0  }
0xbf: {  	[sflag:s0] =	ssyncadd.remote.s32 $0x1  }
0xc0: {  	_ =	sfence.sel $0xFFFF  }
0xc1: {  	[dreg:$0x0] =	wrdreg $0xFFFFFFFF;
	(pc) =	sbr.abs _section_cstart, $3  }
0xc2: {  	[dreg:$0x1] =	wrdreg $0xFFFFFFFF  }
0xc3: {  	_ =	task.clear_ibuf [dreg:s8], $0x2FFFF;
	_ =	strace $0x9FFFFFFF  }
0xc4: {  	(tm) =	ssettm $0x7FFFFFFF  }
0xc5: {  	_ =	shalt  }
tec
execute0_lowered:
.L_overlay_start_1:
0x0: {  	(tag) =	ssettag $0x1  }
0x1: {  	s7 =	rddreg [dreg:$0x0]  }
0x2: {  	s8 =	rddreg [dreg:$0x1]  }
0x3: {  	s9 =	rddreg [dreg:$0x2]  }
0x4: {  	s0 =	rddreg [dreg:$0x3];
	s1 =	simm.s32 $0x0;
	s10 =	srdreg.scid  }
0x5: {  	s4 =	stileid.u32;
	s20 =	simm.s32 $0x100;
	s21 =	simm.s32 $0x400  }
0x6: {  	s22 =	simm.s32 $0x8400;
	s23 =	simm.s32 $0x1;
	s24 =	simm.s32 $0x3  }
0x7: {  	s26 =	simm.s32 $0x300;
	[smem:$0x7FF] =	sst s1;
	s2 =	sadd.s32 $0x1800, s9  }
0x8: {  	s25 =	simm.s32 $0x2;
	s3 =	sadd.s32 $0x1EA800, s9;
	s5 =	sadd.s32 $0x3D3800, s9  }
0x9: {  	s28 =	simm.s32 $0x0;
	s6 =	sadd.s32 $0x5BC800, s9;
	s11 =	sadd.s32 $0x7A5800, s9  }
0xa: {  	s10 =	sand.u32 $0x1, s10;
	s12 =	sadd.s32 $0x7E5800, s9;
	s13 =	sshll.u32 s4, $0xA  }
0xb: {  	s15 =	sadd.s32 $0x825800, s9;
	s14 =	sshll.u32 s10, $0x9;
	s10 =	ssub.s32 $0x2, s10  }
0xc: {  	s16 =	sadd.s32 $0x865800, s9;
	s13 =	sor.u32 s14, s13;
	s31 =	sshrl.u32 s10, $0x1  }
0xd: {  	_ =	strace $0x80000047;
	s14 =	sshrl.u32 s13, $0x3;
	s17 =	ssub.s32 s10, s31  }
0xe: {  	s18 =	sshll.u32 s13, $0x4;
	s7 =	sadd.s32 s7, s14;
	s8 =	sadd.s32 s8, s14  }
0xf: {  	s9 =	sadd.s32 s11, s18;
	s19 =	sor.u32 $0x1000, s18;
	s13 =	sadd.s32 s15, s18  }
0x10: {  	s17 =	smax.u32 s17, $0x1;
	s10 =	sadd.s32 s11, s19;
	s11 =	sadd.s32 s12, s18  }
0x11: {  	s12 =	sadd.s32 s12, s19;
	s14 =	sadd.s32 s15, s19;
	s15 =	sadd.s32 s16, s18  }
0x12: {  	s16 =	sadd.s32 s16, s19;
	s18 =	simm.s32 $0x4;
	s19 =	simm.s32 $0x200  }
.LBB2_1:
0x13: {  	[tilespmem:s1], [sflag:$0x4] =	stream.linear.gather [hbm4b:s7+s1], $0x200, $0x38;
	[tilespmem:$0x10400] =	vst v63  }
0x14: {  	_ =	swait.ge [sflag:s18], $0x200  }
0x15: {  	[sflag:s18] =	ssyncset.done $0x0  }
0x16: {  	[sflag:s18] =	ssyncadd.s32 $0xFFFFFE00  }
0x17: {  	[tilespmem:s19], [sflag:$0x4] =	stream.linear.gather [hbm4b:s8+s1], $0x200, $0x38;
	[tilespmem:$0x10400] =	vst v63  }
0x18: {  	_ =	swait.ge [sflag:s18], $0x200  }
0x19: {  	[sflag:s18] =	ssyncset.done $0x0  }
0x1a: {  	s30 =	simm.s32 $0x20;
	[sflag:s18] =	ssyncadd.s32 $0xFFFFFE00  }
0x1b: {  	s29 =	simm.s32 $0x220;
	v0 =	vld [tilespmem:s30+$0xFFFFFFE0]  }
0x1c: {  	v1 =	vld [tilespmem:s29+$0xFFFFFFE0];
	_ =	sdelay $0x3  }
0x1d: {  	v2 =	vshra.s32 v0, $0x3  }
0x1e: {  	v0 =	vand.u32 $0xFF, v0;
	v3 =	vshra.s32 v1, $0x3;
	v2 =	vand.u32 $0xFFFFFF00, v2  }
0x1f: {  	v1 =	vand.u32 $0xFF, v1;
	v0 =	vor.u32 v0, v2;
	v2 =	vand.u32 $0xFFFFFF00, v3  }
0x20: {  	[tilespmem:s30+$0xFFFFFFE0] =	vst v0;
	v0 =	vor.u32 v1, v2  }
0x21: {  	[tilespmem:s29+$0xFFFFFFE0] =	vst v0  }
0x22: {  	v0 =	vld [tilespmem:s30+$0xFFFFFFF0]  }
0x23: {  	v1 =	vld [tilespmem:s29+$0xFFFFFFF0];
	_ =	sdelay $0x3  }
0x24: {  	v2 =	vshra.s32 v0, $0x3  }
0x25: {  	v3 =	vshra.s32 v1, $0x3;
	v0 =	vand.u32 $0xFF, v0;
	v2 =	vand.u32 $0xFFFFFF00, v2  }
0x26: {  	v1 =	vand.u32 $0xFF, v1;
	v0 =	vor.u32 v0, v2;
	v2 =	vand.u32 $0xFFFFFF00, v3  }
0x27: {  	[tilespmem:s30+$0xFFFFFFF0] =	vst v0;
	v0 =	vor.u32 v1, v2  }
0x28: {  	[tilespmem:s29+$0xFFFFFFF0] =	vst v0  }
0x29: {  	v0 =	vld [tilespmem:s30+$0x0]  }
0x2a: {  	v1 =	vld [tilespmem:s29+$0x0];
	_ =	sdelay $0x3  }
0x2b: {  	v2 =	vshra.s32 v0, $0x3  }
0x2c: {  	v3 =	vshra.s32 v1, $0x3;
	v0 =	vand.u32 $0xFF, v0;
	v2 =	vand.u32 $0xFFFFFF00, v2  }
0x2d: {  	v1 =	vand.u32 $0xFF, v1;
	v0 =	vor.u32 v0, v2;
	v2 =	vand.u32 $0xFFFFFF00, v3  }
0x2e: {  	[tilespmem:s30+$0x0] =	vst v0;
	v0 =	vor.u32 v1, v2  }
0x2f: {  	[tilespmem:s29+$0x0] =	vst v0  }
0x30: {  	v0 =	vld [tilespmem:s30+$0x10]  }
0x31: {  	v1 =	vld [tilespmem:s29+$0x10];
	_ =	sdelay $0x3  }
0x32: {  	v2 =	vshra.s32 v0, $0x3  }
0x33: {  	v3 =	vshra.s32 v1, $0x3;
	v0 =	vand.u32 $0xFF, v0;
	v2 =	vand.u32 $0xFFFFFF00, v2  }
0x34: {  	v1 =	vand.u32 $0xFF, v1;
	v3 =	vand.u32 $0xFFFFFF00, v3;
	v0 =	vor.u32 v0, v2  }
0x35: {  	s31 =	simm.s32 $0x0;
	[tilespmem:s30+$0x10] =	vst v0;
	v0 =	vor.u32 v1, v3  }
.LBB2_2:
0x36: {  	s31 =	sadd.s32 $0x4, s31;
	[tilespmem:s29+$0x10] =	vst v0;
	s29 =	sadd.s32 $0x40, s29;
	s30 =	sadd.s32 $0x40, s30  }
0x37: {  	v0 =	vld [tilespmem:s30+$0xFFFFFFE0];
	p0 =	slt.u32 s31, $0x1C  }
0x38: {  	v1 =	vld [tilespmem:s29+$0xFFFFFFE0];
	_ =	sdelay $0x3  }
0x39: {  	v2 =	vshra.s32 v0, $0x3  }
0x3a: {  	v0 =	vand.u32 $0xFF, v0;
	v2 =	vand.u32 $0xFFFFFF00, v2;
	v3 =	vshra.s32 v1, $0x3  }
0x3b: {  	v1 =	vand.u32 $0xFF, v1;
	v0 =	vor.u32 v0, v2;
	v2 =	vand.u32 $0xFFFFFF00, v3  }
0x3c: {  	[tilespmem:s30+$0xFFFFFFE0] =	vst v0;
	v0 =	vor.u32 v1, v2  }
0x3d: {  	[tilespmem:s29+$0xFFFFFFE0] =	vst v0  }
0x3e: {  	v0 =	vld [tilespmem:s30+$0xFFFFFFF0]  }
0x3f: {  	v1 =	vld [tilespmem:s29+$0xFFFFFFF0];
	_ =	sdelay $0x3  }
0x40: {  	v2 =	vshra.s32 v0, $0x3  }
0x41: {  	v0 =	vand.u32 $0xFF, v0;
	v2 =	vand.u32 $0xFFFFFF00, v2;
	v3 =	vshra.s32 v1, $0x3  }
0x42: {  	v1 =	vand.u32 $0xFF, v1;
	v0 =	vor.u32 v0, v2;
	v2 =	vand.u32 $0xFFFFFF00, v3  }
0x43: {  	[tilespmem:s30+$0xFFFFFFF0] =	vst v0;
	v0 =	vor.u32 v1, v2  }
0x44: {  	[tilespmem:s29+$0xFFFFFFF0] =	vst v0  }
0x45: {  	v0 =	vld [tilespmem:s30+$0x0]  }
0x46: {  	v1 =	vld [tilespmem:s29+$0x0];
	_ =	sdelay $0x3  }
0x47: {  	v2 =	vshra.s32 v0, $0x3  }
0x48: {  	v0 =	vand.u32 $0xFF, v0;
	v2 =	vand.u32 $0xFFFFFF00, v2;
	v3 =	vshra.s32 v1, $0x3  }
0x49: {  	v1 =	vand.u32 $0xFF, v1;
	v0 =	vor.u32 v0, v2;
	v2 =	vand.u32 $0xFFFFFF00, v3  }
0x4a: {  	[tilespmem:s30+$0x0] =	vst v0;
	v0 =	vor.u32 v1, v2  }
0x4b: {  	[tilespmem:s29+$0x0] =	vst v0;
	v0 =	vld [tilespmem:s29+$0x10]  }
0x4c: {  	v1 =	vld [tilespmem:s30+$0x10];
	_ =	sdelay $0x3  }
.Ltmp0:
0x4d: {  	v2 =	vshra.s32 v0, $0x3;
	(pc) =	sbr.rel @p0 .LBB2_2-.Ltmp0, $4  }
0x4e: {  	v3 =	vshra.s32 v1, $0x3;
	v2 =	vand.u32 $0xFFFFFF00, v2  }
0x4f: {  	v1 =	vand.u32 $0xFF, v1;
	v3 =	vand.u32 $0xFFFFFF00, v3  }
0x50: {  	v0 =	vand.u32 $0xFF, v0;
	v1 =	vor.u32 v1, v3  }
0x51: {  	v0 =	vor.u32 v0, v2;
	[tilespmem:s30+$0x10] =	vst v1  }
0x52: {  	[tilespmem:s29+$0x10] =	vst v0  }
0x53: {  	[tilespmem:s21], [sflag:$0x1] =	stream.indirect.gather [hbm4b:s2+s20], $0x80, s1, s20, $0xb8;
	[tilespmem:$0x10400] =	vst v63  }
0x54: {  	_ = 	snop  }
0x55: {  	[tilespmem:s22], [sflag:$0x2] =	stream.indirect.gather [hbm4b:s2+s20], $0x80, s20, s20, $0xb8;
	[tilespmem:$0x10400] =	vst v63  }
0x56: {  	_ =	swait.ge [sflag:s23], $0x8000  }
0x57: {  	[sflag:s23] =	ssyncset.done $0x0  }
0x58: {  	[sflag:s23] =	ssyncadd.s32 $0xFFFF8000  }
0x59: {  	[hbm4b:s9+s1] =	stream.linear.scatter [tilespmem:s21], [sflag:$0x3], $0x8000, $0x38;
	[tilespmem:$0x10400] =	vst v63  }
0x5a: {  	_ =	swait.ge [sflag:s24], $0x8000  }
0x5b: {  	[sflag:s24] =	ssyncset.done $0x0  }
0x5c: {  	[sflag:s24] =	ssyncadd.s32 $0xFFFF8000  }
0x5d: {  	[tilespmem:s21], [sflag:$0x1] =	stream.indirect.gather [hbm4b:s3+s20], $0x80, s19, s20, $0xb8;
	[tilespmem:$0x10400] =	vst v63  }
0x5e: {  	_ =	swait.ge [sflag:s25], $0x8000  }
0x5f: {  	[sflag:s25] =	ssyncset.done $0x0  }
0x60: {  	[sflag:s25] =	ssyncadd.s32 $0xFFFF8000  }
0x61: {  	[hbm4b:s10+s1] =	stream.linear.scatter [tilespmem:s22], [sflag:$0x3], $0x8000, $0x38;
	[tilespmem:$0x10400] =	vst v63  }
0x62: {  	_ =	swait.ge [sflag:s24], $0x8000  }
0x63: {  	[sflag:s24] =	ssyncset.done $0x0  }
0x64: {  	[sflag:s24] =	ssyncadd.s32 $0xFFFF8000  }
0x65: {  	[tilespmem:s22], [sflag:$0x2] =	stream.indirect.gather [hbm4b:s3+s20], $0x80, s26, s20, $0xb8;
	[tilespmem:$0x10400] =	vst v63  }
0x66: {  	_ =	swait.ge [sflag:s23], $0x8000  }
0x67: {  	[sflag:s23] =	ssyncset.done $0x0  }
0x68: {  	[sflag:s23] =	ssyncadd.s32 $0xFFFF8000  }
0x69: {  	[hbm4b:s11+s1] =	stream.linear.scatter [tilespmem:s21], [sflag:$0x3], $0x8000, $0x38;
	[tilespmem:$0x10400] =	vst v63  }
0x6a: {  	_ =	swait.ge [sflag:s24], $0x8000  }
0x6b: {  	[sflag:s24] =	ssyncset.done $0x0  }
0x6c: {  	[sflag:s24] =	ssyncadd.s32 $0xFFFF8000  }
0x6d: {  	[tilespmem:s21], [sflag:$0x1] =	stream.indirect.gather [hbm4b:s5+s20], $0x80, s1, s20, $0xb8;
	[tilespmem:$0x10400] =	vst v63  }
0x6e: {  	_ =	swait.ge [sflag:s25], $0x8000  }
0x6f: {  	[sflag:s25] =	ssyncset.done $0x0  }
0x70: {  	[sflag:s25] =	ssyncadd.s32 $0xFFFF8000  }
0x71: {  	[hbm4b:s12+s1] =	stream.linear.scatter [tilespmem:s22], [sflag:$0x3], $0x8000, $0x38;
	[tilespmem:$0x10400] =	vst v63  }
0x72: {  	_ =	swait.ge [sflag:s24], $0x8000  }
0x73: {  	[sflag:s24] =	ssyncset.done $0x0  }
0x74: {  	[sflag:s24] =	ssyncadd.s32 $0xFFFF8000  }
0x75: {  	[tilespmem:s22], [sflag:$0x2] =	stream.indirect.gather [hbm4b:s5+s20], $0x80, s20, s20, $0xb8;
	[tilespmem:$0x10400] =	vst v63  }
0x76: {  	_ =	swait.ge [sflag:s23], $0x8000  }
0x77: {  	[sflag:s23] =	ssyncset.done $0x0  }
0x78: {  	[sflag:s23] =	ssyncadd.s32 $0xFFFF8000  }
0x79: {  	[hbm4b:s13+s1] =	stream.linear.scatter [tilespmem:s21], [sflag:$0x3], $0x8000, $0x38;
	[tilespmem:$0x10400] =	vst v63  }
0x7a: {  	_ =	swait.ge [sflag:s24], $0x8000  }
0x7b: {  	[sflag:s24] =	ssyncset.done $0x0  }
0x7c: {  	[sflag:s24] =	ssyncadd.s32 $0xFFFF8000  }
0x7d: {  	[tilespmem:s21], [sflag:$0x1] =	stream.indirect.gather [hbm4b:s6+s20], $0x80, s19, s20, $0xb8;
	[tilespmem:$0x10400] =	vst v63  }
0x7e: {  	_ =	swait.ge [sflag:s25], $0x8000  }
0x7f: {  	[sflag:s25] =	ssyncset.done $0x0  }
0x80: {  	[sflag:s25] =	ssyncadd.s32 $0xFFFF8000  }
0x81: {  	[hbm4b:s14+s1] =	stream.linear.scatter [tilespmem:s22], [sflag:$0x3], $0x8000, $0x38;
	[tilespmem:$0x10400] =	vst v63  }
0x82: {  	_ =	swait.ge [sflag:s24], $0x8000  }
0x83: {  	[sflag:s24] =	ssyncset.done $0x0  }
0x84: {  	[sflag:s24] =	ssyncadd.s32 $0xFFFF8000  }
0x85: {  	[tilespmem:s22], [sflag:$0x2] =	stream.indirect.gather [hbm4b:s6+s20], $0x80, s26, s20, $0xb8;
	[tilespmem:$0x10400] =	vst v63  }
0x86: {  	_ =	swait.ge [sflag:s23], $0x8000  }
0x87: {  	[sflag:s23] =	ssyncset.done $0x0  }
0x88: {  	[sflag:s23] =	ssyncadd.s32 $0xFFFF8000  }
0x89: {  	[hbm4b:s15+s1] =	stream.linear.scatter [tilespmem:s21], [sflag:$0x3], $0x8000, $0x38;
	[tilespmem:$0x10400] =	vst v63  }
0x8a: {  	_ =	swait.ge [sflag:s25], $0x8000  }
0x8b: {  	[sflag:s25] =	ssyncset.done $0x0  }
0x8c: {  	s28 =	sadd.s32 $0x1, s28;
	[sflag:s25] =	ssyncadd.s32 $0xFFFF8000  }
0x8d: {  	[hbm4b:s16+s1] =	stream.linear.scatter [tilespmem:s22], [sflag:$0x3], $0x8000, $0x38;
	[tilespmem:$0x10400] =	vst v63  }
0x8e: {  	p0 =	sne.s32 s28, s17;
	_ =	swait.ge [sflag:s24], $0x8000  }
.Ltmp1:
0x8f: {  	[sflag:s24] =	ssyncset.done $0x0;
	(pc) =	sbr.rel @p0 .LBB2_1-.Ltmp1, $4  }
0x90: {  	[sflag:s24] =	ssyncadd.s32 $0xFFFF8000  }
0x91: {  	_ =	swait.ge [sflag:s24], $0x8000  }
0x92: {  	[sflag:s24] =	ssyncset.done $0x0  }
0x93: {  	[sflag:s24] =	ssyncadd.s32 $0xFFFF8000  }
0x94: {  	_ =	sfence.sel $0x180000  }
0x95: {  	[bflag:$0x0] =	sbarrier.arrive $0xFFFF  }
0x96: {  	p0 =	sne.s32 s4, $0x0;
	_ =	strace $0x90000047  }
0x97: {  	s0 =	sadd.s32 @!p0 $0x100000, s0;
	[bflag:$0x2] =	sbarrier.arrive $0xFFFF  }
0x98: {  	[sflag:s0] =	ssyncadd.tile.s32 @!p0 $0x1;
	_ =	shalt  }
.Lfunc_end2:
_tile_overlayer_lowered:
.L_overlay_start_2:
0x99: {  	(tag) =	ssettag $0x2  }
0x9a: {  	s0 =	rddreg [dreg:$0x0];
	s2 =	stileid.u32  }
0x9b: {  	s1 =	rddreg [dreg:$0x1];
	p0 =	sne.s32 s2, $0x0  }
0x9c: {  	s3 =	rddreg [dreg:$0x2];
	[bflag:$0x3] =	sbarrier.arrive $0xFFFF;
	s2 =	simm.s32 @!p0 $0x1C04  }
0x9d: {  	[timem:s3], [sflag:s2] =	dma.local @!p0 [hbm:s0], s1  }
0x9e: {  	s0 =	simm.s32 @!p0 $0x4  }
0x9f: {  	_ =	swait.ge @!p0 [sflag:s0], s1  }
0xa0: {  	s1 =	ssub.s32 @!p0 $0x0, s1;
	[sflag:s0] =	ssyncset.done @!p0 $0x0  }
0xa1: {  	[sflag:s0] =	ssyncadd.s32 @!p0 s1  }
0xa2: {  	[bflag:$0x3] =	sbarrier.arrive $0xFFFF  }
0xa3: {  	_ =	shalt  }

</sc_bundles>
